<compile_context>
chip_gen: v7x
topology: tpu7x:2x2x1
jax: 0.10.2.dev20260603
libtpu: 0.0.44.dev20260713+nightly
codegen_flags: <defaults>
</compile_context>

<pallas_src>
import functools

import jax
import jax.numpy as jnp
from jax import lax
from jax.experimental import pallas as pl
from jax.experimental.pallas import tpu as pltpu
from jax.experimental.pallas import tpu_sc as plsc

NC = 2
NS = 16
NW = NC * NS
L = 16

SUB = 128
BS = 8
B = SUB * BS


def kernel(node_levels, node_q, edge_rel_q, edge_w, edge_index):
    N = node_q.shape[0]
    E = edge_rel_q.shape[0]
    assert E % B == 0
    TBLK = E // B
    MAXB = -(-TBLK // NW)
    RPT = ((-(-N // NW)) + L - 1) // L * L
    N_pad = RPT * NW
    NSL = N_pad // NS

    src = edge_index[0].astype(jnp.int32).reshape(TBLK, B)
    dst = edge_index[1].astype(jnp.int32).reshape(TBLK, B)
    ntab = jnp.concatenate(
        [node_levels.astype(jnp.float32), node_q.astype(jnp.float32),
         jnp.zeros((N, 3), jnp.float32)], axis=1)
    ntab = jnp.pad(ntab, ((0, N_pad - N), (0, 0)))
    rel3 = (edge_rel_q.astype(jnp.float32)
            .reshape(E // SUB, SUB, 4).transpose(0, 2, 1))
    wvec = edge_w.astype(jnp.float32).reshape(E)
    zrows = jnp.zeros((N_pad, 8), jnp.float32)

    mesh = plsc.VectorSubcoreMesh(core_axis_name="c", subcore_axis_name="s")

    @functools.partial(
        pl.kernel,
        out_type=jax.ShapeDtypeStruct((NC * N_pad, 8), jnp.float32),
        mesh=mesh,
        compiler_params=pltpu.CompilerParams(
            needs_layout_passes=False, use_tc_tiling_on_sc=False),
        scratch_types=[
            pltpu.VMEM((B,), jnp.int32),
            pltpu.VMEM((B,), jnp.int32),
            pltpu.VMEM((B,), jnp.int32),
            pltpu.VMEM((B,), jnp.int32),
            pltpu.VMEM((BS, 4, SUB), jnp.float32),
            pltpu.VMEM((BS, 4, SUB), jnp.float32),
            pltpu.VMEM((B,), jnp.float32),
            pltpu.VMEM((B,), jnp.float32),
            pltpu.VMEM((B, 8), jnp.float32),
            pltpu.VMEM((B, 8), jnp.float32),
            pltpu.VMEM((B, 8), jnp.float32),
            pltpu.VMEM((B, 8), jnp.float32),
            pltpu.VMEM_SHARED((N_pad, 8), jnp.float32),
            pltpu.SemaphoreType.DMA,
            pltpu.SemaphoreType.DMA,
            pltpu.SemaphoreType.DMA,
            pltpu.SemaphoreType.DMA,
            pltpu.SemaphoreType.DMA,
            pltpu.SemaphoreType.DMA,
        ],
    )
    def edge_pass(src_h, dst_h, rel_h, w_h, ntab_h, z_h, part_h,
                  src_v0, src_v1, dst_v0, dst_v1, rel_v0, rel_v1,
                  w_v0, w_v1, rows_v0, rows_v1, out_v0, out_v1, acc,
                  sem_ld0, sem_ld1, sem_g0, sem_g1, sem_sc0, sem_sc1):
        src_v = (src_v0, src_v1)
        dst_v = (dst_v0, dst_v1)
        rel_v = (rel_v0, rel_v1)
        w_v = (w_v0, w_v1)
        rows_v = (rows_v0, rows_v1)
        out_v = (out_v0, out_v1)
        sem_ld = (sem_ld0, sem_ld1)
        sem_g = (sem_g0, sem_g1)
        sem_sc = (sem_sc0, sem_sc1)

        cid = lax.axis_index("c")
        sid = lax.axis_index("s")
        wid = cid * NS + sid
        io = lax.iota(jnp.int32, 16)
        c0 = jnp.full((16,), 0, jnp.int32)
        c1 = jnp.full((16,), 1, jnp.int32)
        c2 = jnp.full((16,), 2, jnp.int32)
        c3 = jnp.full((16,), 3, jnp.int32)
        c4 = jnp.full((16,), 4, jnp.int32)

        pltpu.sync_copy(z_h.at[pl.ds(sid * NSL, NSL)],
                        acc.at[pl.ds(sid * NSL, NSL)])
        pltpu.sync_copy(z_h.at[pl.ds(0, B)], out_v0)
        pltpu.sync_copy(z_h.at[pl.ds(0, B)], out_v1)
        plsc.subcore_barrier()

        def load_descs(blk, s):
            return [
                pltpu.make_async_copy(src_h.at[blk], src_v[s], sem_ld[s]),
                pltpu.make_async_copy(dst_h.at[blk], dst_v[s], sem_ld[s]),
                pltpu.make_async_copy(rel_h.at[pl.ds(blk * BS, BS)],
                                      rel_v[s], sem_ld[s]),
                pltpu.make_async_copy(w_h.at[pl.ds(blk * B, B)],
                                      w_v[s], sem_ld[s]),
            ]

        def gather_descs(s):
            return [pltpu.make_async_copy(
                        ntab_h.at[src_v[s]], rows_v[s], sem_g[s])]

        def scatter_descs(s):
            return [pltpu.make_async_copy(
                        out_v[s], acc.at[dst_v[s]], sem_sc[s])]

        def issue_loads(blk, s):
            for d in load_descs(blk, s):
                d.start()

        def wait_loads(blk, s):
            for d in load_descs(blk, s):
                d.wait()

        def fire_gathers(s):
            for d in gather_descs(s):
                d.start()

        def wait_gathers(s):
            for d in gather_descs(s):
                d.wait()

        def fire_scatters(s):
            for d in scatter_descs(s):
                d.start(add=True)

        def drain_scatters(s):
            for d in scatter_descs(s):
                d.wait()

        def compute(s, lo, hi):
            rvs, wvs, ovs = rows_v[s], w_v[s], out_v[s]
            relv = rel_v[s]

            @pl.loop(lo, hi)
            def _grp(g):
                ridx = io + g * L
                lvl = plsc.load_gather(rvs, [ridx, c0])
                qw = plsc.load_gather(rvs, [ridx, c1])
                qx = plsc.load_gather(rvs, [ridx, c2])
                qy = plsc.load_gather(rvs, [ridx, c3])
                qz = plsc.load_gather(rvs, [ridx, c4])
                j = g // 8
                k = (g % 8) * L
                rw = relv[j, 0, pl.ds(k, L)]
                rx = relv[j, 1, pl.ds(k, L)]
                ry = relv[j, 2, pl.ds(k, L)]
                rz = relv[j, 3, pl.ds(k, L)]
                wv = wvs[pl.ds(g * L, L)]
                e = jnp.exp(lvl * wv * 16.0)
                ow = rw * qw - rx * qx - ry * qy - rz * qz
                ox = rw * qx + rx * qw + ry * qz - rz * qy
                oy = rw * qy - rx * qz + ry * qw + rz * qx
                oz = rw * qz + rx * qy - ry * qx + rz * qw
                plsc.store_scatter(ovs, [ridx, c0], e)
                plsc.store_scatter(ovs, [ridx, c1], e * ow)
                plsc.store_scatter(ovs, [ridx, c2], e * ox)
                plsc.store_scatter(ovs, [ridx, c3], e * oy)
                plsc.store_scatter(ovs, [ridx, c4], e * oz)

        issue_loads(wid, 0)
        wait_loads(wid, 0)
        fire_gathers(0)

        @pl.loop(0, MAXB)
        def _blk(i):
            blk = wid + NW * i
            nxt = blk + NW
            for par in (0, 1):
                s, o = par, 1 - par

                @pl.when(jnp.equal(i % 2, par) & (blk < TBLK))
                def _():
                    @pl.when(i > 0)
                    def _():
                        drain_scatters(o)

                    @pl.when(nxt < TBLK)
                    def _():
                        issue_loads(nxt, o)

                    wait_gathers(s)
                    compute(s, 0, B // (2 * L))

                    @pl.when(nxt < TBLK)
                    def _():
                        wait_loads(nxt, o)
                        fire_gathers(o)

                    compute(s, B // (2 * L), B // L)
                    fire_scatters(s)

        i_last = (TBLK - 1 - wid) // NW
        for par in (0, 1):
            @pl.when(jnp.equal(i_last % 2, par))
            def _():
                drain_scatters(par)

        plsc.subcore_barrier()
        pltpu.sync_copy(acc.at[pl.ds(sid * NSL, NSL)],
                        part_h.at[pl.ds(cid * N_pad + sid * NSL, NSL)])

    @functools.partial(
        pl.kernel,
        out_type=jax.ShapeDtypeStruct((4, N_pad), jnp.float32),
        mesh=mesh,
        compiler_params=pltpu.CompilerParams(needs_layout_passes=False, use_tc_tiling_on_sc=False),
        scratch_types=[
            pltpu.VMEM((RPT, 8), jnp.float32),
            pltpu.VMEM((RPT, 8), jnp.float32),
            pltpu.VMEM((RPT, 8), jnp.float32),
            pltpu.VMEM((RPT,), jnp.float32),
            pltpu.VMEM((RPT,), jnp.float32),
            pltpu.VMEM((RPT,), jnp.float32),
            pltpu.VMEM((RPT,), jnp.float32),
        ],
    )
    def node_pass(part_h, ntab_h, out_h, p0_v, p1_v, nt_v,
                  o_v0, o_v1, o_v2, o_v3):
        o_v = (o_v0, o_v1, o_v2, o_v3)
        cid = lax.axis_index("c")
        sid = lax.axis_index("s")
        wid = cid * NS + sid
        base = wid * RPT
        io = lax.iota(jnp.int32, 16)
        c0 = jnp.full((16,), 0, jnp.int32)
        c1 = jnp.full((16,), 1, jnp.int32)
        c2 = jnp.full((16,), 2, jnp.int32)
        c3 = jnp.full((16,), 3, jnp.int32)
        c4 = jnp.full((16,), 4, jnp.int32)

        pltpu.sync_copy(part_h.at[pl.ds(base, RPT)], p0_v)
        pltpu.sync_copy(part_h.at[pl.ds(N_pad + base, RPT)],
                        p1_v)
        pltpu.sync_copy(ntab_h.at[pl.ds(base, RPT)], nt_v)

        @pl.loop(0, RPT // L)
        def _grp(g):
            ridx = io + g * L
            lvl = plsc.load_gather(nt_v, [ridx, c0])
            qw = plsc.load_gather(nt_v, [ridx, c1])
            qx = plsc.load_gather(nt_v, [ridx, c2])
            qy = plsc.load_gather(nt_v, [ridx, c3])
            qz = plsc.load_gather(nt_v, [ridx, c4])
            a_w = (plsc.load_gather(p0_v, [ridx, c0])
                   + plsc.load_gather(p1_v, [ridx, c0]))
            a_1 = (plsc.load_gather(p0_v, [ridx, c1])
                   + plsc.load_gather(p1_v, [ridx, c1]))
            a_2 = (plsc.load_gather(p0_v, [ridx, c2])
                   + plsc.load_gather(p1_v, [ridx, c2]))
            a_3 = (plsc.load_gather(p0_v, [ridx, c3])
                   + plsc.load_gather(p1_v, [ridx, c3]))
            a_4 = (plsc.load_gather(p0_v, [ridx, c4])
                   + plsc.load_gather(p1_v, [ridx, c4]))
            es = jnp.exp(lvl * 16.0)
            den = es + a_w
            o_v0[pl.ds(g * L, L)] = (es * qw + a_1) / den
            o_v1[pl.ds(g * L, L)] = (es * qx + a_2) / den
            o_v2[pl.ds(g * L, L)] = (es * qy + a_3) / den
            o_v3[pl.ds(g * L, L)] = (es * qz + a_4) / den

        for c in range(4):
            pltpu.sync_copy(o_v[c], out_h.at[c, pl.ds(base, RPT)])

    parts = edge_pass(src, dst, rel3, wvec, ntab, zrows)
    out = node_pass(parts, ntab)
    return out[:, :N].T

# --- scband reference (transcript-rebuilt; emitter-appended) ---
"""Pipeline reference for scband-spt-level-propagate-52948356825718 (READ-ONLY COPY).

The authoritative reference and input builder live on the scoring server;
editing this copy changes nothing except your own understanding.
"""

import jax, jax.numpy as jnp
import numpy as np


def qmul(q, r):
    # Hamilton product, quaternion layout (w, x, y, z)
    w1, x1, y1, z1 = q[..., 0], q[..., 1], q[..., 2], q[..., 3]
    w2, x2, y2, z2 = r[..., 0], r[..., 1], r[..., 2], r[..., 3]
    w = w1 * w2 - x1 * x2 - y1 * y2 - z1 * z2
    x = w1 * x2 + x1 * w2 + y1 * z2 - z1 * y2
    y = w1 * y2 - x1 * z2 + y1 * w2 + z1 * x2
    z = w1 * z2 + x1 * y2 - y1 * x2 + z1 * w2
    return jnp.stack([w, x, y, z], axis=-1)


def setup_inputs(seed: int = 0) -> dict:
    key = jax.random.key(seed)
    ks = jax.random.split(key, 5)
    N = 100000
    E = 6400000
    node_levels = jax.random.uniform(ks[0], (N, 1), dtype=jnp.float32)
    node_q = jax.random.normal(ks[1], (N, 4), dtype=jnp.float32)
    edge_rel_q = jax.random.normal(ks[2], (E, 4), dtype=jnp.float32)
    edge_w = jax.random.uniform(ks[3], (E, 1), dtype=jnp.float32)
    edge_index = jax.random.randint(ks[4], (2, E), 0, N, dtype=jnp.int64)
    return {
        "node_levels": node_levels,
        "node_q": node_q,
        "edge_rel_q": edge_rel_q,
        "edge_w": edge_w,
        "edge_index": edge_index,
    }


def reference(node_levels, node_q, edge_rel_q, edge_w, edge_index):
    # Faithful jax translation of SptLevelPropagate.forward (one update_all pass).
    # DGL semantics: messages flow from src -> dst; reduce_func is the
    # level-weighted softmax over {self} U {incoming neighbors}.
    N = node_q.shape[0]
    src = edge_index[0]
    dst = edge_index[1]

    # message_func: per-edge neighbor level and accumulated quaternion
    edge_l = (node_levels[src] * edge_w)[:, 0]           # [E] neighbor_level * w
    edge_q = qmul(edge_rel_q, node_q[src])               # [E,4] qmul(rel_q, q_src)

    cur_l = node_levels[:, 0]                            # [N]
    scale = 16.0

    # softmax_(in_l, N=16.0, dim=1) over ragged groups [cur_level, neighbor_levels]
    m_edge = jax.ops.segment_max(edge_l * scale, dst, num_segments=N)  # -inf for empty
    m = jnp.maximum(m_edge, cur_l * scale)               # [N]

    exp_self = jnp.exp(cur_l * scale - m)                # [N]
    exp_edge = jnp.exp(edge_l * scale - m[dst])          # [E]

    denom = exp_self + jax.ops.segment_sum(exp_edge, dst, num_segments=N)  # [N]
    num = exp_self[:, None] * node_q + jax.ops.segment_sum(
        exp_edge[:, None] * edge_q, dst, num_segments=N
    )                                                    # [N,4]

    out_q = num / denom[:, None]
    return out_q

if __name__ == "__main__":
    import jax
    _d = setup_inputs()
    print(jax.jit(kernel)(*tuple(_d.values())))

</pallas_src>

<mosaic_0001>
#map = affine_map<(d0, d1) -> (0, 0)>
module attributes {stable_mosaic.version = 14 : i64} {
  func.func @node_pass(%arg0: i32, %arg1: i32, %arg2: memref<200704x8xf32, #tpu.memory_space<hbm>>, %arg3: memref<100352x8xf32, #tpu.memory_space<hbm>>, %arg4: memref<4x100352xf32, #tpu.memory_space<hbm>>, %arg5: memref<3136x8xf32, #tpu.memory_space<vmem>>, %arg6: memref<3136x8xf32, #tpu.memory_space<vmem>>, %arg7: memref<3136x8xf32, #tpu.memory_space<vmem>>, %arg8: memref<3136xf32, #tpu.memory_space<vmem>>, %arg9: memref<3136xf32, #tpu.memory_space<vmem>>, %arg10: memref<3136xf32, #tpu.memory_space<vmem>>, %arg11: memref<3136xf32, #tpu.memory_space<vmem>>) attributes {dimension_semantics = [#tpu.dimension_semantics<core_parallel>, #tpu.dimension_semantics<subcore_parallel>], iteration_bounds = array<i64: 2, 16>, scalar_prefetch = 0 : i64, scratch_operands = 7 : i64, tpu.core_type = #tpu.core_type<sc_vector_subcore>, window_params = [{transform_indices = #map}, {transform_indices = #map}, {transform_indices = #map}]} {
    %mul3A = arith.constant 16 : i32
    %mul3A_0 = arith.muli %arg0, %mul3A : i32
    %add3A = arith.addi %mul3A_0, %arg1 : i32
    %mul3A_1 = arith.constant 3136 : i32
    %mul3A_2 = arith.muli %add3A, %mul3A_1 : i32
    %iota3A = tpu.iota {dimensions = array<i32: 0>} : vector<16xi32>
    %broadcast_in_dim3A = arith.constant 0 : i32
    %broadcast_in_dim3A_3 = vector.broadcast %broadcast_in_dim3A : i32 to vector<16xi32>
    %broadcast_in_dim3A_4 = arith.constant 1 : i32
    %broadcast_in_dim3A_5 = vector.broadcast %broadcast_in_dim3A_4 : i32 to vector<16xi32>
    %broadcast_in_dim3A_6 = arith.constant 2 : i32
    %broadcast_in_dim3A_7 = vector.broadcast %broadcast_in_dim3A_6 : i32 to vector<16xi32>
    %broadcast_in_dim3A_8 = arith.constant 3 : i32
    %broadcast_in_dim3A_9 = vector.broadcast %broadcast_in_dim3A_8 : i32 to vector<16xi32>
    %broadcast_in_dim3A_10 = arith.constant 4 : i32
    %broadcast_in_dim3A_11 = vector.broadcast %broadcast_in_dim3A_10 : i32 to vector<16xi32>
    "tpu.region"() ({
      %run_scoped3A_21 = tpu.sem_alloc : memref<!tpu.dma_semaphore, #tpu.memory_space<semaphore_mem>>
      %dma_start3A = arith.constant 0 : i32
      %dma_start3A_22 = tpu.memref_slice %arg2[%mul3A_2, %dma_start3A] : memref<200704x8xf32, #tpu.memory_space<hbm>> -> memref<3136x8xf32, #tpu.memory_space<hbm>>
      %dma_start3A_23 = arith.constant 0 : i32
      %dma_start3A_24 = tpu.memref_slice %arg2[%mul3A_2, %dma_start3A_23] : memref<200704x8xf32, #tpu.memory_space<hbm>> -> memref<3136x8xf32, #tpu.memory_space<hbm>>
      tpu.enqueue_dma source(%dma_start3A_24 : memref<3136x8xf32, #tpu.memory_space<hbm>>) target(%arg5 : memref<3136x8xf32, #tpu.memory_space<vmem>>) target_semaphore(%run_scoped3A_21 : memref<!tpu.dma_semaphore, #tpu.memory_space<semaphore_mem>>)
      %dma_wait3A = arith.constant 0 : i32
      %dma_wait3A_25 = tpu.memref_slice %arg2[%mul3A_2, %dma_wait3A] : memref<200704x8xf32, #tpu.memory_space<hbm>> -> memref<3136x8xf32, #tpu.memory_space<hbm>>
      %dma_wait3A_26 = arith.constant 0 : i32
      %dma_wait3A_27 = tpu.memref_slice %arg2[%mul3A_2, %dma_wait3A_26] : memref<200704x8xf32, #tpu.memory_space<hbm>> -> memref<3136x8xf32, #tpu.memory_space<hbm>>
      tpu.wait_dma2 semaphore(%run_scoped3A_21 : memref<!tpu.dma_semaphore, #tpu.memory_space<semaphore_mem>>) src(%dma_wait3A_27 : memref<3136x8xf32, #tpu.memory_space<hbm>>) dst(%arg5 : memref<3136x8xf32, #tpu.memory_space<vmem>>)
      tpu.yield
    }) : () -> ()
    %add3A_12 = arith.constant 100352 : i32
    %add3A_13 = arith.addi %add3A_12, %mul3A_2 : i32
    "tpu.region"() ({
      %run_scoped3A_21 = tpu.sem_alloc : memref<!tpu.dma_semaphore, #tpu.memory_space<semaphore_mem>>
      %dma_start3A = arith.constant 0 : i32
      %dma_start3A_22 = tpu.memref_slice %arg2[%add3A_13, %dma_start3A] : memref<200704x8xf32, #tpu.memory_space<hbm>> -> memref<3136x8xf32, #tpu.memory_space<hbm>>
      %dma_start3A_23 = arith.constant 0 : i32
      %dma_start3A_24 = tpu.memref_slice %arg2[%add3A_13, %dma_start3A_23] : memref<200704x8xf32, #tpu.memory_space<hbm>> -> memref<3136x8xf32, #tpu.memory_space<hbm>>
      tpu.enqueue_dma source(%dma_start3A_24 : memref<3136x8xf32, #tpu.memory_space<hbm>>) target(%arg6 : memref<3136x8xf32, #tpu.memory_space<vmem>>) target_semaphore(%run_scoped3A_21 : memref<!tpu.dma_semaphore, #tpu.memory_space<semaphore_mem>>)
      %dma_wait3A = arith.constant 0 : i32
      %dma_wait3A_25 = tpu.memref_slice %arg2[%add3A_13, %dma_wait3A] : memref<200704x8xf32, #tpu.memory_space<hbm>> -> memref<3136x8xf32, #tpu.memory_space<hbm>>
      %dma_wait3A_26 = arith.constant 0 : i32
      %dma_wait3A_27 = tpu.memref_slice %arg2[%add3A_13, %dma_wait3A_26] : memref<200704x8xf32, #tpu.memory_space<hbm>> -> memref<3136x8xf32, #tpu.memory_space<hbm>>
      tpu.wait_dma2 semaphore(%run_scoped3A_21 : memref<!tpu.dma_semaphore, #tpu.memory_space<semaphore_mem>>) src(%dma_wait3A_27 : memref<3136x8xf32, #tpu.memory_space<hbm>>) dst(%arg6 : memref<3136x8xf32, #tpu.memory_space<vmem>>)
      tpu.yield
    }) : () -> ()
    "tpu.region"() ({
      %run_scoped3A_21 = tpu.sem_alloc : memref<!tpu.dma_semaphore, #tpu.memory_space<semaphore_mem>>
      %dma_start3A = arith.constant 0 : i32
      %dma_start3A_22 = tpu.memref_slice %arg3[%mul3A_2, %dma_start3A] : memref<100352x8xf32, #tpu.memory_space<hbm>> -> memref<3136x8xf32, #tpu.memory_space<hbm>>
      %dma_start3A_23 = arith.constant 0 : i32
      %dma_start3A_24 = tpu.memref_slice %arg3[%mul3A_2, %dma_start3A_23] : memref<100352x8xf32, #tpu.memory_space<hbm>> -> memref<3136x8xf32, #tpu.memory_space<hbm>>
      tpu.enqueue_dma source(%dma_start3A_24 : memref<3136x8xf32, #tpu.memory_space<hbm>>) target(%arg7 : memref<3136x8xf32, #tpu.memory_space<vmem>>) target_semaphore(%run_scoped3A_21 : memref<!tpu.dma_semaphore, #tpu.memory_space<semaphore_mem>>)
      %dma_wait3A = arith.constant 0 : i32
      %dma_wait3A_25 = tpu.memref_slice %arg3[%mul3A_2, %dma_wait3A] : memref<100352x8xf32, #tpu.memory_space<hbm>> -> memref<3136x8xf32, #tpu.memory_space<hbm>>
      %dma_wait3A_26 = arith.constant 0 : i32
      %dma_wait3A_27 = tpu.memref_slice %arg3[%mul3A_2, %dma_wait3A_26] : memref<100352x8xf32, #tpu.memory_space<hbm>> -> memref<3136x8xf32, #tpu.memory_space<hbm>>
      tpu.wait_dma2 semaphore(%run_scoped3A_21 : memref<!tpu.dma_semaphore, #tpu.memory_space<semaphore_mem>>) src(%dma_wait3A_27 : memref<3136x8xf32, #tpu.memory_space<hbm>>) dst(%arg7 : memref<3136x8xf32, #tpu.memory_space<vmem>>)
      tpu.yield
    }) : () -> ()
    %scan3A = arith.constant 0 : i32
    %scan3A_14 = arith.constant 196 : i32
    %scan3A_15 = arith.addi %scan3A, %scan3A_14 : i32
    %scan3A_16 = arith.constant 1 : i32
    scf.for %scan3A_21 = %scan3A to %scan3A_15 step %scan3A_16  : i32 {
      %mul3A_22 = arith.constant 1 : i32
      %mul3A_23 = arith.muli %scan3A_21, %mul3A_22 : i32
      %add3A_24 = arith.constant 0 : i32
      %add3A_25 = arith.addi %add3A_24, %mul3A_23 : i32
      %mul3A_26 = arith.constant 16 : i32
      %mul3A_27 = arith.muli %add3A_25, %mul3A_26 : i32
      %add3A_28 = vector.broadcast %mul3A_27 : i32 to vector<16xi32>
      %add3A_29 = arith.addi %iota3A, %add3A_28 : vector<16xi32>
      %gather3A = tpu.vector_load_idx %arg7[%add3A_29, %broadcast_in_dim3A_3] : memref<3136x8xf32, #tpu.memory_space<vmem>>[vector<16xi32>, vector<16xi32>], vector<16xf32>,
      %gather3A_30 = tpu.vector_load_idx %arg7[%add3A_29, %broadcast_in_dim3A_5] : memref<3136x8xf32, #tpu.memory_space<vmem>>[vector<16xi32>, vector<16xi32>], vector<16xf32>,
      %gather3A_31 = tpu.vector_load_idx %arg7[%add3A_29, %broadcast_in_dim3A_7] : memref<3136x8xf32, #tpu.memory_space<vmem>>[vector<16xi32>, vector<16xi32>], vector<16xf32>,
      %gather3A_32 = tpu.vector_load_idx %arg7[%add3A_29, %broadcast_in_dim3A_9] : memref<3136x8xf32, #tpu.memory_space<vmem>>[vector<16xi32>, vector<16xi32>], vector<16xf32>,
      %gather3A_33 = tpu.vector_load_idx %arg7[%add3A_29, %broadcast_in_dim3A_11] : memref<3136x8xf32, #tpu.memory_space<vmem>>[vector<16xi32>, vector<16xi32>], vector<16xf32>,
      %gather3A_34 = tpu.vector_load_idx %arg5[%add3A_29, %broadcast_in_dim3A_3] : memref<3136x8xf32, #tpu.memory_space<vmem>>[vector<16xi32>, vector<16xi32>], vector<16xf32>,
      %gather3A_35 = tpu.vector_load_idx %arg6[%add3A_29, %broadcast_in_dim3A_3] : memref<3136x8xf32, #tpu.memory_space<vmem>>[vector<16xi32>, vector<16xi32>], vector<16xf32>,
      %add3A_36 = arith.addf %gather3A_34, %gather3A_35 : vector<16xf32>
      %gather3A_37 = tpu.vector_load_idx %arg5[%add3A_29, %broadcast_in_dim3A_5] : memref<3136x8xf32, #tpu.memory_space<vmem>>[vector<16xi32>, vector<16xi32>], vector<16xf32>,
      %gather3A_38 = tpu.vector_load_idx %arg6[%add3A_29, %broadcast_in_dim3A_5] : memref<3136x8xf32, #tpu.memory_space<vmem>>[vector<16xi32>, vector<16xi32>], vector<16xf32>,
      %add3A_39 = arith.addf %gather3A_37, %gather3A_38 : vector<16xf32>
      %gather3A_40 = tpu.vector_load_idx %arg5[%add3A_29, %broadcast_in_dim3A_7] : memref<3136x8xf32, #tpu.memory_space<vmem>>[vector<16xi32>, vector<16xi32>], vector<16xf32>,
      %gather3A_41 = tpu.vector_load_idx %arg6[%add3A_29, %broadcast_in_dim3A_7] : memref<3136x8xf32, #tpu.memory_space<vmem>>[vector<16xi32>, vector<16xi32>], vector<16xf32>,
      %add3A_42 = arith.addf %gather3A_40, %gather3A_41 : vector<16xf32>
      %gather3A_43 = tpu.vector_load_idx %arg5[%add3A_29, %broadcast_in_dim3A_9] : memref<3136x8xf32, #tpu.memory_space<vmem>>[vector<16xi32>, vector<16xi32>], vector<16xf32>,
      %gather3A_44 = tpu.vector_load_idx %arg6[%add3A_29, %broadcast_in_dim3A_9] : memref<3136x8xf32, #tpu.memory_space<vmem>>[vector<16xi32>, vector<16xi32>], vector<16xf32>,
      %add3A_45 = arith.addf %gather3A_43, %gather3A_44 : vector<16xf32>
      %gather3A_46 = tpu.vector_load_idx %arg5[%add3A_29, %broadcast_in_dim3A_11] : memref<3136x8xf32, #tpu.memory_space<vmem>>[vector<16xi32>, vector<16xi32>], vector<16xf32>,
      %gather3A_47 = tpu.vector_load_idx %arg6[%add3A_29, %broadcast_in_dim3A_11] : memref<3136x8xf32, #tpu.memory_space<vmem>>[vector<16xi32>, vector<16xi32>], vector<16xf32>,
      %add3A_48 = arith.addf %gather3A_46, %gather3A_47 : vector<16xf32>
      %mul3A_49 = arith.constant 1.600000e+01 : f32
      %mul3A_50 = vector.broadcast %mul3A_49 : f32 to vector<16xf32>
      %mul3A_51 = arith.mulf %gather3A, %mul3A_50 : vector<16xf32>
      %exp3A = math.exp %mul3A_51 : vector<16xf32>
      %add3A_52 = arith.addf %exp3A, %add3A_36 : vector<16xf32>
      %mul3A_53 = arith.mulf %exp3A, %gather3A_30 : vector<16xf32>
      %add3A_54 = arith.addf %mul3A_53, %add3A_39 : vector<16xf32>
      %div3A = arith.divf %add3A_54, %add3A_52 : vector<16xf32>
      %mul3A_55 = arith.constant 16 : i32
      %mul3A_56 = arith.muli %add3A_25, %mul3A_55 : i32
      %swap3A = arith.index_cast %mul3A_56 : i32 to index
      %swap3A_57 = tpu.vector_load %arg8[%swap3A] {strides = array<i32>} : memref<3136xf32, #tpu.memory_space<vmem>>, vector<16xf32>,
      tpu.vector_store %arg8[%swap3A], %div3A {strides = array<i32>} : memref<3136xf32, #tpu.memory_space<vmem>>, vector<16xf32>,
      %mul3A_58 = arith.mulf %exp3A, %gather3A_31 : vector<16xf32>
      %add3A_59 = arith.addf %mul3A_58, %add3A_42 : vector<16xf32>
      %div3A_60 = arith.divf %add3A_59, %add3A_52 : vector<16xf32>
      %mul3A_61 = arith.constant 16 : i32
      %mul3A_62 = arith.muli %add3A_25, %mul3A_61 : i32
      %swap3A_63 = arith.index_cast %mul3A_62 : i32 to index
      %swap3A_64 = tpu.vector_load %arg9[%swap3A_63] {strides = array<i32>} : memref<3136xf32, #tpu.memory_space<vmem>>, vector<16xf32>,
      tpu.vector_store %arg9[%swap3A_63], %div3A_60 {strides = array<i32>} : memref<3136xf32, #tpu.memory_space<vmem>>, vector<16xf32>,
      %mul3A_65 = arith.mulf %exp3A, %gather3A_32 : vector<16xf32>
      %add3A_66 = arith.addf %mul3A_65, %add3A_45 : vector<16xf32>
      %div3A_67 = arith.divf %add3A_66, %add3A_52 : vector<16xf32>
      %mul3A_68 = arith.constant 16 : i32
      %mul3A_69 = arith.muli %add3A_25, %mul3A_68 : i32
      %swap3A_70 = arith.index_cast %mul3A_69 : i32 to index
      %swap3A_71 = tpu.vector_load %arg10[%swap3A_70] {strides = array<i32>} : memref<3136xf32, #tpu.memory_space<vmem>>, vector<16xf32>,
      tpu.vector_store %arg10[%swap3A_70], %div3A_67 {strides = array<i32>} : memref<3136xf32, #tpu.memory_space<vmem>>, vector<16xf32>,
      %mul3A_72 = arith.mulf %exp3A, %gather3A_33 : vector<16xf32>
      %add3A_73 = arith.addf %mul3A_72, %add3A_48 : vector<16xf32>
      %div3A_74 = arith.divf %add3A_73, %add3A_52 : vector<16xf32>
      %mul3A_75 = arith.constant 16 : i32
      %mul3A_76 = arith.muli %add3A_25, %mul3A_75 : i32
      %swap3A_77 = arith.index_cast %mul3A_76 : i32 to index
      %swap3A_78 = tpu.vector_load %arg11[%swap3A_77] {strides = array<i32>} : memref<3136xf32, #tpu.memory_space<vmem>>, vector<16xf32>,
      tpu.vector_store %arg11[%swap3A_77], %div3A_74 {strides = array<i32>} : memref<3136xf32, #tpu.memory_space<vmem>>, vector<16xf32>,
    }
    %scan3A_17 = arith.constant 196 : i32
    %run_scoped3A = arith.constant 0 : i32
    "tpu.region"() ({
      %run_scoped3A_21 = tpu.sem_alloc : memref<!tpu.dma_semaphore, #tpu.memory_space<semaphore_mem>>
      %dma_start3A = tpu.memref_slice %arg4[%run_scoped3A, %mul3A_2] : memref<4x100352xf32, #tpu.memory_space<hbm>> -> memref<1x3136xf32, #tpu.memory_space<hbm>>
      %dma_start3A_22 = tpu.memref_squeeze %dma_start3A : memref<1x3136xf32, #tpu.memory_space<hbm>> -> memref<3136xf32, #tpu.memory_space<hbm>>
      %dma_start3A_23 = tpu.memref_slice %arg4[%run_scoped3A, %mul3A_2] : memref<4x100352xf32, #tpu.memory_space<hbm>> -> memref<1x3136xf32, #tpu.memory_space<hbm>>
      %dma_start3A_24 = tpu.memref_squeeze %dma_start3A_23 : memref<1x3136xf32, #tpu.memory_space<hbm>> -> memref<3136xf32, #tpu.memory_space<hbm>>
      tpu.enqueue_dma source(%arg8 : memref<3136xf32, #tpu.memory_space<vmem>>) target(%dma_start3A_24 : memref<3136xf32, #tpu.memory_space<hbm>>) target_semaphore(%run_scoped3A_21 : memref<!tpu.dma_semaphore, #tpu.memory_space<semaphore_mem>>)
      %dma_wait3A = tpu.memref_slice %arg4[%run_scoped3A, %mul3A_2] : memref<4x100352xf32, #tpu.memory_space<hbm>> -> memref<1x3136xf32, #tpu.memory_space<hbm>>
      %dma_wait3A_25 = tpu.memref_squeeze %dma_wait3A : memref<1x3136xf32, #tpu.memory_space<hbm>> -> memref<3136xf32, #tpu.memory_space<hbm>>
      %dma_wait3A_26 = tpu.memref_slice %arg4[%run_scoped3A, %mul3A_2] : memref<4x100352xf32, #tpu.memory_space<hbm>> -> memref<1x3136xf32, #tpu.memory_space<hbm>>
      %dma_wait3A_27 = tpu.memref_squeeze %dma_wait3A_26 : memref<1x3136xf32, #tpu.memory_space<hbm>> -> memref<3136xf32, #tpu.memory_space<hbm>>
      tpu.wait_dma2 semaphore(%run_scoped3A_21 : memref<!tpu.dma_semaphore, #tpu.memory_space<semaphore_mem>>) src(%arg8 : memref<3136xf32, #tpu.memory_space<vmem>>) dst(%dma_wait3A_27 : memref<3136xf32, #tpu.memory_space<hbm>>)
      tpu.yield
    }) : () -> ()
    %run_scoped3A_18 = arith.constant 1 : i32
    "tpu.region"() ({
      %run_scoped3A_21 = tpu.sem_alloc : memref<!tpu.dma_semaphore, #tpu.memory_space<semaphore_mem>>
      %dma_start3A = tpu.memref_slice %arg4[%run_scoped3A_18, %mul3A_2] : memref<4x100352xf32, #tpu.memory_space<hbm>> -> memref<1x3136xf32, #tpu.memory_space<hbm>>
      %dma_start3A_22 = tpu.memref_squeeze %dma_start3A : memref<1x3136xf32, #tpu.memory_space<hbm>> -> memref<3136xf32, #tpu.memory_space<hbm>>
      %dma_start3A_23 = tpu.memref_slice %arg4[%run_scoped3A_18, %mul3A_2] : memref<4x100352xf32, #tpu.memory_space<hbm>> -> memref<1x3136xf32, #tpu.memory_space<hbm>>
      %dma_start3A_24 = tpu.memref_squeeze %dma_start3A_23 : memref<1x3136xf32, #tpu.memory_space<hbm>> -> memref<3136xf32, #tpu.memory_space<hbm>>
      tpu.enqueue_dma source(%arg9 : memref<3136xf32, #tpu.memory_space<vmem>>) target(%dma_start3A_24 : memref<3136xf32, #tpu.memory_space<hbm>>) target_semaphore(%run_scoped3A_21 : memref<!tpu.dma_semaphore, #tpu.memory_space<semaphore_mem>>)
      %dma_wait3A = tpu.memref_slice %arg4[%run_scoped3A_18, %mul3A_2] : memref<4x100352xf32, #tpu.memory_space<hbm>> -> memref<1x3136xf32, #tpu.memory_space<hbm>>
      %dma_wait3A_25 = tpu.memref_squeeze %dma_wait3A : memref<1x3136xf32, #tpu.memory_space<hbm>> -> memref<3136xf32, #tpu.memory_space<hbm>>
      %dma_wait3A_26 = tpu.memref_slice %arg4[%run_scoped3A_18, %mul3A_2] : memref<4x100352xf32, #tpu.memory_space<hbm>> -> memref<1x3136xf32, #tpu.memory_space<hbm>>
      %dma_wait3A_27 = tpu.memref_squeeze %dma_wait3A_26 : memref<1x3136xf32, #tpu.memory_space<hbm>> -> memref<3136xf32, #tpu.memory_space<hbm>>
      tpu.wait_dma2 semaphore(%run_scoped3A_21 : memref<!tpu.dma_semaphore, #tpu.memory_space<semaphore_mem>>) src(%arg9 : memref<3136xf32, #tpu.memory_space<vmem>>) dst(%dma_wait3A_27 : memref<3136xf32, #tpu.memory_space<hbm>>)
      tpu.yield
    }) : () -> ()
    %run_scoped3A_19 = arith.constant 2 : i32
    "tpu.region"() ({
      %run_scoped3A_21 = tpu.sem_alloc : memref<!tpu.dma_semaphore, #tpu.memory_space<semaphore_mem>>
      %dma_start3A = tpu.memref_slice %arg4[%run_scoped3A_19, %mul3A_2] : memref<4x100352xf32, #tpu.memory_space<hbm>> -> memref<1x3136xf32, #tpu.memory_space<hbm>>
      %dma_start3A_22 = tpu.memref_squeeze %dma_start3A : memref<1x3136xf32, #tpu.memory_space<hbm>> -> memref<3136xf32, #tpu.memory_space<hbm>>
      %dma_start3A_23 = tpu.memref_slice %arg4[%run_scoped3A_19, %mul3A_2] : memref<4x100352xf32, #tpu.memory_space<hbm>> -> memref<1x3136xf32, #tpu.memory_space<hbm>>
      %dma_start3A_24 = tpu.memref_squeeze %dma_start3A_23 : memref<1x3136xf32, #tpu.memory_space<hbm>> -> memref<3136xf32, #tpu.memory_space<hbm>>
      tpu.enqueue_dma source(%arg10 : memref<3136xf32, #tpu.memory_space<vmem>>) target(%dma_start3A_24 : memref<3136xf32, #tpu.memory_space<hbm>>) target_semaphore(%run_scoped3A_21 : memref<!tpu.dma_semaphore, #tpu.memory_space<semaphore_mem>>)
      %dma_wait3A = tpu.memref_slice %arg4[%run_scoped3A_19, %mul3A_2] : memref<4x100352xf32, #tpu.memory_space<hbm>> -> memref<1x3136xf32, #tpu.memory_space<hbm>>
      %dma_wait3A_25 = tpu.memref_squeeze %dma_wait3A : memref<1x3136xf32, #tpu.memory_space<hbm>> -> memref<3136xf32, #tpu.memory_space<hbm>>
      %dma_wait3A_26 = tpu.memref_slice %arg4[%run_scoped3A_19, %mul3A_2] : memref<4x100352xf32, #tpu.memory_space<hbm>> -> memref<1x3136xf32, #tpu.memory_space<hbm>>
      %dma_wait3A_27 = tpu.memref_squeeze %dma_wait3A_26 : memref<1x3136xf32, #tpu.memory_space<hbm>> -> memref<3136xf32, #tpu.memory_space<hbm>>
      tpu.wait_dma2 semaphore(%run_scoped3A_21 : memref<!tpu.dma_semaphore, #tpu.memory_space<semaphore_mem>>) src(%arg10 : memref<3136xf32, #tpu.memory_space<vmem>>) dst(%dma_wait3A_27 : memref<3136xf32, #tpu.memory_space<hbm>>)
      tpu.yield
    }) : () -> ()
    %run_scoped3A_20 = arith.constant 3 : i32
    "tpu.region"() ({
      %run_scoped3A_21 = tpu.sem_alloc : memref<!tpu.dma_semaphore, #tpu.memory_space<semaphore_mem>>
      %dma_start3A = tpu.memref_slice %arg4[%run_scoped3A_20, %mul3A_2] : memref<4x100352xf32, #tpu.memory_space<hbm>> -> memref<1x3136xf32, #tpu.memory_space<hbm>>
      %dma_start3A_22 = tpu.memref_squeeze %dma_start3A : memref<1x3136xf32, #tpu.memory_space<hbm>> -> memref<3136xf32, #tpu.memory_space<hbm>>
      %dma_start3A_23 = tpu.memref_slice %arg4[%run_scoped3A_20, %mul3A_2] : memref<4x100352xf32, #tpu.memory_space<hbm>> -> memref<1x3136xf32, #tpu.memory_space<hbm>>
      %dma_start3A_24 = tpu.memref_squeeze %dma_start3A_23 : memref<1x3136xf32, #tpu.memory_space<hbm>> -> memref<3136xf32, #tpu.memory_space<hbm>>
      tpu.enqueue_dma source(%arg11 : memref<3136xf32, #tpu.memory_space<vmem>>) target(%dma_start3A_24 : memref<3136xf32, #tpu.memory_space<hbm>>) target_semaphore(%run_scoped3A_21 : memref<!tpu.dma_semaphore, #tpu.memory_space<semaphore_mem>>)
      %dma_wait3A = tpu.memref_slice %arg4[%run_scoped3A_20, %mul3A_2] : memref<4x100352xf32, #tpu.memory_space<hbm>> -> memref<1x3136xf32, #tpu.memory_space<hbm>>
      %dma_wait3A_25 = tpu.memref_squeeze %dma_wait3A : memref<1x3136xf32, #tpu.memory_space<hbm>> -> memref<3136xf32, #tpu.memory_space<hbm>>
      %dma_wait3A_26 = tpu.memref_slice %arg4[%run_scoped3A_20, %mul3A_2] : memref<4x100352xf32, #tpu.memory_space<hbm>> -> memref<1x3136xf32, #tpu.memory_space<hbm>>
      %dma_wait3A_27 = tpu.memref_squeeze %dma_wait3A_26 : memref<1x3136xf32, #tpu.memory_space<hbm>> -> memref<3136xf32, #tpu.memory_space<hbm>>
      tpu.wait_dma2 semaphore(%run_scoped3A_21 : memref<!tpu.dma_semaphore, #tpu.memory_space<semaphore_mem>>) src(%arg11 : memref<3136xf32, #tpu.memory_space<vmem>>) dst(%dma_wait3A_27 : memref<3136xf32, #tpu.memory_space<hbm>>)
      tpu.yield
    }) : () -> ()
    return
  }
}

#map = affine_map<(d0, d1) -> (0, 0)>
#map1 = affine_map<(d0, d1) -> (0, 0, 0)>
#map2 = affine_map<(d0, d1) -> (0)>
module attributes {stable_mosaic.version = 14 : i64} {
  func.func @edge_pass(%arg0: i32, %arg1: i32, %arg2: memref<6250x1024xi32, #tpu.memory_space<hbm>>, %arg3: memref<6250x1024xi32, #tpu.memory_space<hbm>>, %arg4: memref<50000x4x128xf32, #tpu.memory_space<hbm>>, %arg5: memref<6400000xf32, #tpu.memory_space<hbm>>, %arg6: memref<100352x8xf32, #tpu.memory_space<hbm>>, %arg7: memref<100352x8xf32, #tpu.memory_space<hbm>>, %arg8: memref<200704x8xf32, #tpu.memory_space<hbm>>, %arg9: memref<1024xi32, #tpu.memory_space<vmem>>, %arg10: memref<1024xi32, #tpu.memory_space<vmem>>, %arg11: memref<1024xi32, #tpu.memory_space<vmem>>, %arg12: memref<1024xi32, #tpu.memory_space<vmem>>, %arg13: memref<8x4x128xf32, #tpu.memory_space<vmem>>, %arg14: memref<8x4x128xf32, #tpu.memory_space<vmem>>, %arg15: memref<1024xf32, #tpu.memory_space<vmem>>, %arg16: memref<1024xf32, #tpu.memory_space<vmem>>, %arg17: memref<1024x8xf32, #tpu.memory_space<vmem>>, %arg18: memref<1024x8xf32, #tpu.memory_space<vmem>>, %arg19: memref<1024x8xf32, #tpu.memory_space<vmem>>, %arg20: memref<1024x8xf32, #tpu.memory_space<vmem>>, %arg21: memref<100352x8xf32, #tpu.memory_space<vmem_shared>>, %arg22: memref<!tpu.dma_semaphore, #tpu.memory_space<semaphore_mem>>, %arg23: memref<!tpu.dma_semaphore, #tpu.memory_space<semaphore_mem>>, %arg24: memref<!tpu.dma_semaphore, #tpu.memory_space<semaphore_mem>>, %arg25: memref<!tpu.dma_semaphore, #tpu.memory_space<semaphore_mem>>, %arg26: memref<!tpu.dma_semaphore, #tpu.memory_space<semaphore_mem>>, %arg27: memref<!tpu.dma_semaphore, #tpu.memory_space<semaphore_mem>>) attributes {dimension_semantics = [#tpu.dimension_semantics<core_parallel>, #tpu.dimension_semantics<subcore_parallel>], iteration_bounds = array<i64: 2, 16>, scalar_prefetch = 0 : i64, scratch_operands = 19 : i64, tpu.core_type = #tpu.core_type<sc_vector_subcore>, window_params = [{transform_indices = #map}, {transform_indices = #map}, {transform_indices = #map1}, {transform_indices = #map2}, {transform_indices = #map}, {transform_indices = #map}, {transform_indices = #map}]} {
    %mul3A = arith.constant 16 : i32
    %mul3A_0 = arith.muli %arg0, %mul3A : i32
    %add3A = arith.addi %mul3A_0, %arg1 : i32
    %iota3A = tpu.iota {dimensions = array<i32: 0>} : vector<16xi32>
    %broadcast_in_dim3A = arith.constant 0 : i32
    %broadcast_in_dim3A_1 = vector.broadcast %broadcast_in_dim3A : i32 to vector<16xi32>
    %broadcast_in_dim3A_2 = arith.constant 1 : i32
    %broadcast_in_dim3A_3 = vector.broadcast %broadcast_in_dim3A_2 : i32 to vector<16xi32>
    %broadcast_in_dim3A_4 = arith.constant 2 : i32
    %broadcast_in_dim3A_5 = vector.broadcast %broadcast_in_dim3A_4 : i32 to vector<16xi32>
    %broadcast_in_dim3A_6 = arith.constant 3 : i32
    %broadcast_in_dim3A_7 = vector.broadcast %broadcast_in_dim3A_6 : i32 to vector<16xi32>
    %broadcast_in_dim3A_8 = arith.constant 4 : i32
    %broadcast_in_dim3A_9 = vector.broadcast %broadcast_in_dim3A_8 : i32 to vector<16xi32>
    %mul3A_10 = arith.constant 6272 : i32
    %mul3A_11 = arith.muli %arg1, %mul3A_10 : i32
    %mul3A_12 = arith.constant 6272 : i32
    %mul3A_13 = arith.muli %arg1, %mul3A_12 : i32
    "tpu.region"() ({
      %run_scoped3A = tpu.sem_alloc : memref<!tpu.dma_semaphore, #tpu.memory_space<semaphore_mem>>
      %dma_start3A_131 = arith.constant 0 : i32
      %dma_start3A_132 = tpu.memref_slice %arg21[%mul3A_13, %dma_start3A_131] : memref<100352x8xf32, #tpu.memory_space<vmem_shared>> -> memref<6272x8xf32, #tpu.memory_space<vmem_shared>>
      %dma_start3A_133 = arith.constant 0 : i32
      %dma_start3A_134 = tpu.memref_slice %arg7[%mul3A_11, %dma_start3A_133] : memref<100352x8xf32, #tpu.memory_space<hbm>> -> memref<6272x8xf32, #tpu.memory_space<hbm>>
      tpu.enqueue_dma source(%dma_start3A_134 : memref<6272x8xf32, #tpu.memory_space<hbm>>) target(%dma_start3A_132 : memref<6272x8xf32, #tpu.memory_space<vmem_shared>>) target_semaphore(%run_scoped3A : memref<!tpu.dma_semaphore, #tpu.memory_space<semaphore_mem>>)
      %dma_wait3A_135 = arith.constant 0 : i32
      %dma_wait3A_136 = tpu.memref_slice %arg21[%mul3A_13, %dma_wait3A_135] : memref<100352x8xf32, #tpu.memory_space<vmem_shared>> -> memref<6272x8xf32, #tpu.memory_space<vmem_shared>>
      %dma_wait3A_137 = arith.constant 0 : i32
      %dma_wait3A_138 = tpu.memref_slice %arg7[%mul3A_11, %dma_wait3A_137] : memref<100352x8xf32, #tpu.memory_space<hbm>> -> memref<6272x8xf32, #tpu.memory_space<hbm>>
      tpu.wait_dma2 semaphore(%run_scoped3A : memref<!tpu.dma_semaphore, #tpu.memory_space<semaphore_mem>>) src(%dma_wait3A_138 : memref<6272x8xf32, #tpu.memory_space<hbm>>) dst(%dma_wait3A_136 : memref<6272x8xf32, #tpu.memory_space<vmem_shared>>)
      tpu.yield
    }) : () -> ()
    "tpu.region"() ({
      %run_scoped3A = tpu.sem_alloc : memref<!tpu.dma_semaphore, #tpu.memory_space<semaphore_mem>>
      %dma_start3A_131 = arith.constant 0 : i32
      %dma_start3A_132 = arith.constant 0 : i32
      %dma_start3A_133 = tpu.memref_slice %arg7[%dma_start3A_131, %dma_start3A_132] : memref<100352x8xf32, #tpu.memory_space<hbm>> -> memref<1024x8xf32, #tpu.memory_space<hbm>>
      %dma_start3A_134 = arith.constant 0 : i32
      %dma_start3A_135 = arith.constant 0 : i32
      %dma_start3A_136 = tpu.memref_slice %arg7[%dma_start3A_134, %dma_start3A_135] : memref<100352x8xf32, #tpu.memory_space<hbm>> -> memref<1024x8xf32, #tpu.memory_space<hbm>>
      tpu.enqueue_dma source(%dma_start3A_136 : memref<1024x8xf32, #tpu.memory_space<hbm>>) target(%arg19 : memref<1024x8xf32, #tpu.memory_space<vmem>>) target_semaphore(%run_scoped3A : memref<!tpu.dma_semaphore, #tpu.memory_space<semaphore_mem>>)
      %dma_wait3A_137 = arith.constant 0 : i32
      %dma_wait3A_138 = arith.constant 0 : i32
      %dma_wait3A_139 = tpu.memref_slice %arg7[%dma_wait3A_137, %dma_wait3A_138] : memref<100352x8xf32, #tpu.memory_space<hbm>> -> memref<1024x8xf32, #tpu.memory_space<hbm>>
      %dma_wait3A_140 = arith.constant 0 : i32
      %dma_wait3A_141 = arith.constant 0 : i32
      %dma_wait3A_142 = tpu.memref_slice %arg7[%dma_wait3A_140, %dma_wait3A_141] : memref<100352x8xf32, #tpu.memory_space<hbm>> -> memref<1024x8xf32, #tpu.memory_space<hbm>>
      tpu.wait_dma2 semaphore(%run_scoped3A : memref<!tpu.dma_semaphore, #tpu.memory_space<semaphore_mem>>) src(%dma_wait3A_142 : memref<1024x8xf32, #tpu.memory_space<hbm>>) dst(%arg19 : memref<1024x8xf32, #tpu.memory_space<vmem>>)
      tpu.yield
    }) : () -> ()
    "tpu.region"() ({
      %run_scoped3A = tpu.sem_alloc : memref<!tpu.dma_semaphore, #tpu.memory_space<semaphore_mem>>
      %dma_start3A_131 = arith.constant 0 : i32
      %dma_start3A_132 = arith.constant 0 : i32
      %dma_start3A_133 = tpu.memref_slice %arg7[%dma_start3A_131, %dma_start3A_132] : memref<100352x8xf32, #tpu.memory_space<hbm>> -> memref<1024x8xf32, #tpu.memory_space<hbm>>
      %dma_start3A_134 = arith.constant 0 : i32
      %dma_start3A_135 = arith.constant 0 : i32
      %dma_start3A_136 = tpu.memref_slice %arg7[%dma_start3A_134, %dma_start3A_135] : memref<100352x8xf32, #tpu.memory_space<hbm>> -> memref<1024x8xf32, #tpu.memory_space<hbm>>
      tpu.enqueue_dma source(%dma_start3A_136 : memref<1024x8xf32, #tpu.memory_space<hbm>>) target(%arg20 : memref<1024x8xf32, #tpu.memory_space<vmem>>) target_semaphore(%run_scoped3A : memref<!tpu.dma_semaphore, #tpu.memory_space<semaphore_mem>>)
      %dma_wait3A_137 = arith.constant 0 : i32
      %dma_wait3A_138 = arith.constant 0 : i32
      %dma_wait3A_139 = tpu.memref_slice %arg7[%dma_wait3A_137, %dma_wait3A_138] : memref<100352x8xf32, #tpu.memory_space<hbm>> -> memref<1024x8xf32, #tpu.memory_space<hbm>>
      %dma_wait3A_140 = arith.constant 0 : i32
      %dma_wait3A_141 = arith.constant 0 : i32
      %dma_wait3A_142 = tpu.memref_slice %arg7[%dma_wait3A_140, %dma_wait3A_141] : memref<100352x8xf32, #tpu.memory_space<hbm>> -> memref<1024x8xf32, #tpu.memory_space<hbm>>
      tpu.wait_dma2 semaphore(%run_scoped3A : memref<!tpu.dma_semaphore, #tpu.memory_space<semaphore_mem>>) src(%dma_wait3A_142 : memref<1024x8xf32, #tpu.memory_space<hbm>>) dst(%arg20 : memref<1024x8xf32, #tpu.memory_space<vmem>>)
      tpu.yield
    }) : () -> ()
    %barrier3A = arith.constant 0 : index
    tpu.barrier barrier_id(%barrier3A)
    %mul3A_14 = arith.constant 8 : i32
    %mul3A_15 = arith.muli %add3A, %mul3A_14 : i32
    %mul3A_16 = arith.constant 1024 : i32
    %mul3A_17 = arith.muli %add3A, %mul3A_16 : i32
    %dma_start3A = arith.constant 0 : i32
    %dma_start3A_18 = tpu.memref_slice %arg2[%add3A, %dma_start3A] : memref<6250x1024xi32, #tpu.memory_space<hbm>> -> memref<1x1024xi32, #tpu.memory_space<hbm>>
    %dma_start3A_19 = tpu.memref_squeeze %dma_start3A_18 : memref<1x1024xi32, #tpu.memory_space<hbm>> -> memref<1024xi32, #tpu.memory_space<hbm>>
    %dma_start3A_20 = arith.constant 0 : i32
    %dma_start3A_21 = tpu.memref_slice %arg2[%add3A, %dma_start3A_20] : memref<6250x1024xi32, #tpu.memory_space<hbm>> -> memref<1x1024xi32, #tpu.memory_space<hbm>>
    %dma_start3A_22 = tpu.memref_squeeze %dma_start3A_21 : memref<1x1024xi32, #tpu.memory_space<hbm>> -> memref<1024xi32, #tpu.memory_space<hbm>>
    tpu.enqueue_dma source(%dma_start3A_22 : memref<1024xi32, #tpu.memory_space<hbm>>) target(%arg9 : memref<1024xi32, #tpu.memory_space<vmem>>) target_semaphore(%arg22 : memref<!tpu.dma_semaphore, #tpu.memory_space<semaphore_mem>>)
    %dma_start3A_23 = arith.constant 0 : i32
    %dma_start3A_24 = tpu.memref_slice %arg3[%add3A, %dma_start3A_23] : memref<6250x1024xi32, #tpu.memory_space<hbm>> -> memref<1x1024xi32, #tpu.memory_space<hbm>>
    %dma_start3A_25 = tpu.memref_squeeze %dma_start3A_24 : memref<1x1024xi32, #tpu.memory_space<hbm>> -> memref<1024xi32, #tpu.memory_space<hbm>>
    %dma_start3A_26 = arith.constant 0 : i32
    %dma_start3A_27 = tpu.memref_slice %arg3[%add3A, %dma_start3A_26] : memref<6250x1024xi32, #tpu.memory_space<hbm>> -> memref<1x1024xi32, #tpu.memory_space<hbm>>
    %dma_start3A_28 = tpu.memref_squeeze %dma_start3A_27 : memref<1x1024xi32, #tpu.memory_space<hbm>> -> memref<1024xi32, #tpu.memory_space<hbm>>
    tpu.enqueue_dma source(%dma_start3A_28 : memref<1024xi32, #tpu.memory_space<hbm>>) target(%arg11 : memref<1024xi32, #tpu.memory_space<vmem>>) target_semaphore(%arg22 : memref<!tpu.dma_semaphore, #tpu.memory_space<semaphore_mem>>)
    %dma_start3A_29 = arith.constant 0 : i32
    %dma_start3A_30 = arith.constant 0 : i32
    %dma_start3A_31 = tpu.memref_slice %arg4[%mul3A_15, %dma_start3A_29, %dma_start3A_30] : memref<50000x4x128xf32, #tpu.memory_space<hbm>> -> memref<8x4x128xf32, #tpu.memory_space<hbm>>
    %dma_start3A_32 = arith.constant 0 : i32
    %dma_start3A_33 = arith.constant 0 : i32
    %dma_start3A_34 = tpu.memref_slice %arg4[%mul3A_15, %dma_start3A_32, %dma_start3A_33] : memref<50000x4x128xf32, #tpu.memory_space<hbm>> -> memref<8x4x128xf32, #tpu.memory_space<hbm>>
    tpu.enqueue_dma source(%dma_start3A_34 : memref<8x4x128xf32, #tpu.memory_space<hbm>>) target(%arg13 : memref<8x4x128xf32, #tpu.memory_space<vmem>>) target_semaphore(%arg22 : memref<!tpu.dma_semaphore, #tpu.memory_space<semaphore_mem>>)
    %dma_start3A_35 = tpu.memref_slice %arg5[%mul3A_17] : memref<6400000xf32, #tpu.memory_space<hbm>> -> memref<1024xf32, #tpu.memory_space<hbm>>
    %dma_start3A_36 = tpu.memref_slice %arg5[%mul3A_17] : memref<6400000xf32, #tpu.memory_space<hbm>> -> memref<1024xf32, #tpu.memory_space<hbm>>
    tpu.enqueue_dma source(%dma_start3A_36 : memref<1024xf32, #tpu.memory_space<hbm>>) target(%arg15 : memref<1024xf32, #tpu.memory_space<vmem>>) target_semaphore(%arg22 : memref<!tpu.dma_semaphore, #tpu.memory_space<semaphore_mem>>)
    %mul3A_37 = arith.constant 8 : i32
    %mul3A_38 = arith.muli %add3A, %mul3A_37 : i32
    %mul3A_39 = arith.constant 1024 : i32
    %mul3A_40 = arith.muli %add3A, %mul3A_39 : i32
    %dma_wait3A = arith.constant 0 : i32
    %dma_wait3A_41 = tpu.memref_slice %arg2[%add3A, %dma_wait3A] : memref<6250x1024xi32, #tpu.memory_space<hbm>> -> memref<1x1024xi32, #tpu.memory_space<hbm>>
    %dma_wait3A_42 = tpu.memref_squeeze %dma_wait3A_41 : memref<1x1024xi32, #tpu.memory_space<hbm>> -> memref<1024xi32, #tpu.memory_space<hbm>>
    %dma_wait3A_43 = arith.constant 0 : i32
    %dma_wait3A_44 = tpu.memref_slice %arg2[%add3A, %dma_wait3A_43] : memref<6250x1024xi32, #tpu.memory_space<hbm>> -> memref<1x1024xi32, #tpu.memory_space<hbm>>
    %dma_wait3A_45 = tpu.memref_squeeze %dma_wait3A_44 : memref<1x1024xi32, #tpu.memory_space<hbm>> -> memref<1024xi32, #tpu.memory_space<hbm>>
    tpu.wait_dma2 semaphore(%arg22 : memref<!tpu.dma_semaphore, #tpu.memory_space<semaphore_mem>>) src(%dma_wait3A_45 : memref<1024xi32, #tpu.memory_space<hbm>>) dst(%arg9 : memref<1024xi32, #tpu.memory_space<vmem>>)
    %dma_wait3A_46 = arith.constant 0 : i32
    %dma_wait3A_47 = tpu.memref_slice %arg3[%add3A, %dma_wait3A_46] : memref<6250x1024xi32, #tpu.memory_space<hbm>> -> memref<1x1024xi32, #tpu.memory_space<hbm>>
    %dma_wait3A_48 = tpu.memref_squeeze %dma_wait3A_47 : memref<1x1024xi32, #tpu.memory_space<hbm>> -> memref<1024xi32, #tpu.memory_space<hbm>>
    %dma_wait3A_49 = arith.constant 0 : i32
    %dma_wait3A_50 = tpu.memref_slice %arg3[%add3A, %dma_wait3A_49] : memref<6250x1024xi32, #tpu.memory_space<hbm>> -> memref<1x1024xi32, #tpu.memory_space<hbm>>
    %dma_wait3A_51 = tpu.memref_squeeze %dma_wait3A_50 : memref<1x1024xi32, #tpu.memory_space<hbm>> -> memref<1024xi32, #tpu.memory_space<hbm>>
    tpu.wait_dma2 semaphore(%arg22 : memref<!tpu.dma_semaphore, #tpu.memory_space<semaphore_mem>>) src(%dma_wait3A_51 : memref<1024xi32, #tpu.memory_space<hbm>>) dst(%arg11 : memref<1024xi32, #tpu.memory_space<vmem>>)
    %dma_wait3A_52 = arith.constant 0 : i32
    %dma_wait3A_53 = arith.constant 0 : i32
    %dma_wait3A_54 = tpu.memref_slice %arg4[%mul3A_38, %dma_wait3A_52, %dma_wait3A_53] : memref<50000x4x128xf32, #tpu.memory_space<hbm>> -> memref<8x4x128xf32, #tpu.memory_space<hbm>>
    %dma_wait3A_55 = arith.constant 0 : i32
    %dma_wait3A_56 = arith.constant 0 : i32
    %dma_wait3A_57 = tpu.memref_slice %arg4[%mul3A_38, %dma_wait3A_55, %dma_wait3A_56] : memref<50000x4x128xf32, #tpu.memory_space<hbm>> -> memref<8x4x128xf32, #tpu.memory_space<hbm>>
    tpu.wait_dma2 semaphore(%arg22 : memref<!tpu.dma_semaphore, #tpu.memory_space<semaphore_mem>>) src(%dma_wait3A_57 : memref<8x4x128xf32, #tpu.memory_space<hbm>>) dst(%arg13 : memref<8x4x128xf32, #tpu.memory_space<vmem>>)
    %dma_wait3A_58 = tpu.memref_slice %arg5[%mul3A_40] : memref<6400000xf32, #tpu.memory_space<hbm>> -> memref<1024xf32, #tpu.memory_space<hbm>>
    %dma_wait3A_59 = tpu.memref_slice %arg5[%mul3A_40] : memref<6400000xf32, #tpu.memory_space<hbm>> -> memref<1024xf32, #tpu.memory_space<hbm>>
    tpu.wait_dma2 semaphore(%arg22 : memref<!tpu.dma_semaphore, #tpu.memory_space<semaphore_mem>>) src(%dma_wait3A_59 : memref<1024xf32, #tpu.memory_space<hbm>>) dst(%arg15 : memref<1024xf32, #tpu.memory_space<vmem>>)
    %dma_start3A_60 = arith.constant 0 : i32
    %dma_start3A_61 = arith.constant 0 : i32
    %dma_start3A_62 = tpu.memref_slice %arg6[%dma_start3A_60, %dma_start3A_61] : memref<100352x8xf32, #tpu.memory_space<hbm>> -> memref<100352x8xf32, #tpu.memory_space<hbm>>
    tpu.enqueue_indirect_dma source(%dma_start3A_62 : memref<100352x8xf32, #tpu.memory_space<hbm>>) target(%arg17 : memref<1024x8xf32, #tpu.memory_space<vmem>>) offsets(%arg9 : memref<1024xi32, #tpu.memory_space<vmem>>) semaphore(%arg24 : memref<!tpu.dma_semaphore, #tpu.memory_space<semaphore_mem>>)
    %scan3A = arith.constant 0 : i32
    %scan3A_63 = arith.constant 196 : i32
    %scan3A_64 = arith.addi %scan3A, %scan3A_63 : i32
    %scan3A_65 = arith.constant 1 : i32
    scf.for %scan3A_131 = %scan3A to %scan3A_64 step %scan3A_65  : i32 {
      %mul3A_132 = arith.constant 1 : i32
      %mul3A_133 = arith.muli %scan3A_131, %mul3A_132 : i32
      %add3A_134 = arith.constant 0 : i32
      %add3A_135 = arith.addi %add3A_134, %mul3A_133 : i32
      %mul3A_136 = arith.constant 32 : i32
      %mul3A_137 = arith.muli %mul3A_136, %add3A_135 : i32
      %add3A_138 = arith.addi %add3A, %mul3A_137 : i32
      %add3A_139 = arith.constant 32 : i32
      %add3A_140 = arith.addi %add3A_138, %add3A_139 : i32
      %jit3A_141 = arith.constant 2 : i32
      %eq3A_142 = arith.constant 0 : i32
      %eq3A_143 = arith.cmpi eq, %jit3A_141, %eq3A_142 : i32
      %jit3A_144 = arith.constant 1 : i32
      %select_n3A_145 = arith.select %eq3A_143, %jit3A_144, %jit3A_141 : i32
      %rem3A_146 = arith.remsi %add3A_135, %select_n3A_145 : i32
      %ne3A_147 = arith.constant 0 : i32
      %ne3A_148 = arith.cmpi ne, %rem3A_146, %ne3A_147 : i32
      %lt3A_149 = arith.constant 0 : i32
      %lt3A_150 = arith.cmpi slt, %rem3A_146, %lt3A_149 : i32
      %lt3A_151 = arith.constant 0 : i32
      %lt3A_152 = arith.cmpi slt, %select_n3A_145, %lt3A_151 : i32
      %ne3A_153 = arith.xori %lt3A_150, %lt3A_152 : i1
      %and3A_154 = arith.andi %ne3A_153, %ne3A_148 : i1
      %add3A_155 = arith.addi %rem3A_146, %select_n3A_145 : i32
      %select_n3A_156 = arith.select %and3A_154, %add3A_155, %rem3A_146 : i32
      %eq3A_157 = arith.constant 0 : i32
      %eq3A_158 = arith.cmpi eq, %select_n3A_156, %eq3A_157 : i32
      %lt3A_159 = arith.constant 6250 : i32
      %lt3A_160 = arith.cmpi slt, %add3A_138, %lt3A_159 : i32
      %and3A_161 = arith.andi %eq3A_158, %lt3A_160 : i1
      %convert_element_type3A_162 = arith.extui %and3A_161 : i1 to i32
      %cond3A_163 = arith.constant 0 : i32
      %cond3A_164 = arith.cmpi ne, %convert_element_type3A_162, %cond3A_163 : i32
      scf.if %cond3A_164 {
        %gt3A = arith.constant 0 : i32
        %gt3A_189 = arith.cmpi sgt, %add3A_135, %gt3A : i32
        %convert_element_type3A_190 = arith.extui %gt3A_189 : i1 to i32
        %cond3A_191 = arith.constant 0 : i32
        %cond3A_192 = arith.cmpi ne, %convert_element_type3A_190, %cond3A_191 : i32
        scf.if %cond3A_192 {
          %dma_wait3A_219 = arith.constant 0 : i32
          %dma_wait3A_220 = arith.constant 0 : i32
          %dma_wait3A_221 = tpu.memref_slice %arg21[%dma_wait3A_219, %dma_wait3A_220] : memref<100352x8xf32, #tpu.memory_space<vmem_shared>> -> memref<100352x8xf32, #tpu.memory_space<vmem_shared>>
          tpu.wait_indirect_dma semaphore(%arg27 : memref<!tpu.dma_semaphore, #tpu.memory_space<semaphore_mem>>) src(%arg20 : memref<1024x8xf32, #tpu.memory_space<vmem>>) dst(%dma_wait3A_221 : memref<100352x8xf32, #tpu.memory_space<vmem_shared>>)
        } else {
        }
        %lt3A_193 = arith.constant 6250 : i32
        %lt3A_194 = arith.cmpi slt, %add3A_140, %lt3A_193 : i32
        %convert_element_type3A_195 = arith.extui %lt3A_194 : i1 to i32
        %cond3A_196 = arith.constant 0 : i32
        %cond3A_197 = arith.cmpi ne, %convert_element_type3A_195, %cond3A_196 : i32
        scf.if %cond3A_197 {
          %mul3A_219 = arith.constant 8 : i32
          %mul3A_220 = arith.muli %add3A_140, %mul3A_219 : i32
          %mul3A_221 = arith.constant 1024 : i32
          %mul3A_222 = arith.muli %add3A_140, %mul3A_221 : i32
          %dma_start3A_223 = arith.constant 0 : i32
          %dma_start3A_224 = tpu.memref_slice %arg2[%add3A_140, %dma_start3A_223] : memref<6250x1024xi32, #tpu.memory_space<hbm>> -> memref<1x1024xi32, #tpu.memory_space<hbm>>
          %dma_start3A_225 = tpu.memref_squeeze %dma_start3A_224 : memref<1x1024xi32, #tpu.memory_space<hbm>> -> memref<1024xi32, #tpu.memory_space<hbm>>
          %dma_start3A_226 = arith.constant 0 : i32
          %dma_start3A_227 = tpu.memref_slice %arg2[%add3A_140, %dma_start3A_226] : memref<6250x1024xi32, #tpu.memory_space<hbm>> -> memref<1x1024xi32, #tpu.memory_space<hbm>>
          %dma_start3A_228 = tpu.memref_squeeze %dma_start3A_227 : memref<1x1024xi32, #tpu.memory_space<hbm>> -> memref<1024xi32, #tpu.memory_space<hbm>>
          tpu.enqueue_dma source(%dma_start3A_228 : memref<1024xi32, #tpu.memory_space<hbm>>) target(%arg10 : memref<1024xi32, #tpu.memory_space<vmem>>) target_semaphore(%arg23 : memref<!tpu.dma_semaphore, #tpu.memory_space<semaphore_mem>>)
          %dma_start3A_229 = arith.constant 0 : i32
          %dma_start3A_230 = tpu.memref_slice %arg3[%add3A_140, %dma_start3A_229] : memref<6250x1024xi32, #tpu.memory_space<hbm>> -> memref<1x1024xi32, #tpu.memory_space<hbm>>
          %dma_start3A_231 = tpu.memref_squeeze %dma_start3A_230 : memref<1x1024xi32, #tpu.memory_space<hbm>> -> memref<1024xi32, #tpu.memory_space<hbm>>
          %dma_start3A_232 = arith.constant 0 : i32
          %dma_start3A_233 = tpu.memref_slice %arg3[%add3A_140, %dma_start3A_232] : memref<6250x1024xi32, #tpu.memory_space<hbm>> -> memref<1x1024xi32, #tpu.memory_space<hbm>>
          %dma_start3A_234 = tpu.memref_squeeze %dma_start3A_233 : memref<1x1024xi32, #tpu.memory_space<hbm>> -> memref<1024xi32, #tpu.memory_space<hbm>>
          tpu.enqueue_dma source(%dma_start3A_234 : memref<1024xi32, #tpu.memory_space<hbm>>) target(%arg12 : memref<1024xi32, #tpu.memory_space<vmem>>) target_semaphore(%arg23 : memref<!tpu.dma_semaphore, #tpu.memory_space<semaphore_mem>>)
          %dma_start3A_235 = arith.constant 0 : i32
          %dma_start3A_236 = arith.constant 0 : i32
          %dma_start3A_237 = tpu.memref_slice %arg4[%mul3A_220, %dma_start3A_235, %dma_start3A_236] : memref<50000x4x128xf32, #tpu.memory_space<hbm>> -> memref<8x4x128xf32, #tpu.memory_space<hbm>>
          %dma_start3A_238 = arith.constant 0 : i32
          %dma_start3A_239 = arith.constant 0 : i32
          %dma_start3A_240 = tpu.memref_slice %arg4[%mul3A_220, %dma_start3A_238, %dma_start3A_239] : memref<50000x4x128xf32, #tpu.memory_space<hbm>> -> memref<8x4x128xf32, #tpu.memory_space<hbm>>
          tpu.enqueue_dma source(%dma_start3A_240 : memref<8x4x128xf32, #tpu.memory_space<hbm>>) target(%arg14 : memref<8x4x128xf32, #tpu.memory_space<vmem>>) target_semaphore(%arg23 : memref<!tpu.dma_semaphore, #tpu.memory_space<semaphore_mem>>)
          %dma_start3A_241 = tpu.memref_slice %arg5[%mul3A_222] : memref<6400000xf32, #tpu.memory_space<hbm>> -> memref<1024xf32, #tpu.memory_space<hbm>>
          %dma_start3A_242 = tpu.memref_slice %arg5[%mul3A_222] : memref<6400000xf32, #tpu.memory_space<hbm>> -> memref<1024xf32, #tpu.memory_space<hbm>>
          tpu.enqueue_dma source(%dma_start3A_242 : memref<1024xf32, #tpu.memory_space<hbm>>) target(%arg16 : memref<1024xf32, #tpu.memory_space<vmem>>) target_semaphore(%arg23 : memref<!tpu.dma_semaphore, #tpu.memory_space<semaphore_mem>>)
        } else {
        }
        %dma_wait3A_198 = arith.constant 0 : i32
        %dma_wait3A_199 = arith.constant 0 : i32
        %dma_wait3A_200 = tpu.memref_slice %arg6[%dma_wait3A_198, %dma_wait3A_199] : memref<100352x8xf32, #tpu.memory_space<hbm>> -> memref<100352x8xf32, #tpu.memory_space<hbm>>
        tpu.wait_indirect_dma semaphore(%arg24 : memref<!tpu.dma_semaphore, #tpu.memory_space<semaphore_mem>>) src(%dma_wait3A_200 : memref<100352x8xf32, #tpu.memory_space<hbm>>) dst(%arg17 : memref<1024x8xf32, #tpu.memory_space<vmem>>)
        %scan3A_201 = arith.constant 0 : i32
        %scan3A_202 = arith.constant 32 : i32
        %scan3A_203 = arith.addi %scan3A_201, %scan3A_202 : i32
        %scan3A_204 = arith.constant 1 : i32
        scf.for %scan3A_219 = %scan3A_201 to %scan3A_203 step %scan3A_204  : i32 {
          %mul3A_220 = arith.constant 1 : i32
          %mul3A_221 = arith.muli %scan3A_219, %mul3A_220 : i32
          %add3A_222 = arith.constant 0 : i32
          %add3A_223 = arith.addi %add3A_222, %mul3A_221 : i32
          %mul3A_224 = arith.constant 16 : i32
          %mul3A_225 = arith.muli %add3A_223, %mul3A_224 : i32
          %add3A_226 = vector.broadcast %mul3A_225 : i32 to vector<16xi32>
          %add3A_227 = arith.addi %iota3A, %add3A_226 : vector<16xi32>
          %gather3A = tpu.vector_load_idx %arg17[%add3A_227, %broadcast_in_dim3A_1] : memref<1024x8xf32, #tpu.memory_space<vmem>>[vector<16xi32>, vector<16xi32>], vector<16xf32>,
          %gather3A_228 = tpu.vector_load_idx %arg17[%add3A_227, %broadcast_in_dim3A_3] : memref<1024x8xf32, #tpu.memory_space<vmem>>[vector<16xi32>, vector<16xi32>], vector<16xf32>,
          %gather3A_229 = tpu.vector_load_idx %arg17[%add3A_227, %broadcast_in_dim3A_5] : memref<1024x8xf32, #tpu.memory_space<vmem>>[vector<16xi32>, vector<16xi32>], vector<16xf32>,
          %gather3A_230 = tpu.vector_load_idx %arg17[%add3A_227, %broadcast_in_dim3A_7] : memref<1024x8xf32, #tpu.memory_space<vmem>>[vector<16xi32>, vector<16xi32>], vector<16xf32>,
          %gather3A_231 = tpu.vector_load_idx %arg17[%add3A_227, %broadcast_in_dim3A_9] : memref<1024x8xf32, #tpu.memory_space<vmem>>[vector<16xi32>, vector<16xi32>], vector<16xf32>,
          %jit3A_232 = arith.constant 8 : i32
          %div3A_233 = arith.divsi %add3A_223, %jit3A_232 : i32
          %sign3A_234 = arith.constant 0 : i32
          %sign3A_235 = arith.cmpi sgt, %add3A_223, %sign3A_234 : i32
          %sign3A_236 = arith.extui %sign3A_235 : i1 to i32
          %sign3A_237 = arith.constant 0 : i32
          %sign3A_238 = arith.cmpi slt, %add3A_223, %sign3A_237 : i32
          %sign3A_239 = arith.extui %sign3A_238 : i1 to i32
          %sign3A_240 = arith.subi %sign3A_236, %sign3A_239 : i32
          %sign3A_241 = arith.constant 0 : i32
          %sign3A_242 = arith.cmpi sgt, %jit3A_232, %sign3A_241 : i32
          %sign3A_243 = arith.extui %sign3A_242 : i1 to i32
          %sign3A_244 = arith.constant 0 : i32
          %sign3A_245 = arith.cmpi slt, %jit3A_232, %sign3A_244 : i32
          %sign3A_246 = arith.extui %sign3A_245 : i1 to i32
          %sign3A_247 = arith.subi %sign3A_243, %sign3A_246 : i32
          %ne3A_248 = arith.cmpi ne, %sign3A_240, %sign3A_247 : i32
          %rem3A_249 = arith.remsi %add3A_223, %jit3A_232 : i32
          %ne3A_250 = arith.constant 0 : i32
          %ne3A_251 = arith.cmpi ne, %rem3A_249, %ne3A_250 : i32
          %and3A_252 = arith.andi %ne3A_248, %ne3A_251 : i1
          %sub3A_253 = arith.constant 1 : i32
          %sub3A_254 = arith.subi %div3A_233, %sub3A_253 : i32
          %select_n3A_255 = arith.select %and3A_252, %sub3A_254, %div3A_233 : i32
          %jit3A_256 = arith.constant 8 : i32
          %eq3A_257 = arith.constant 0 : i32
          %eq3A_258 = arith.cmpi eq, %jit3A_256, %eq3A_257 : i32
          %jit3A_259 = arith.constant 1 : i32
          %select_n3A_260 = arith.select %eq3A_258, %jit3A_259, %jit3A_256 : i32
          %rem3A_261 = arith.remsi %add3A_223, %select_n3A_260 : i32
          %ne3A_262 = arith.constant 0 : i32
          %ne3A_263 = arith.cmpi ne, %rem3A_261, %ne3A_262 : i32
          %lt3A_264 = arith.constant 0 : i32
          %lt3A_265 = arith.cmpi slt, %rem3A_261, %lt3A_264 : i32
          %lt3A_266 = arith.constant 0 : i32
          %lt3A_267 = arith.cmpi slt, %select_n3A_260, %lt3A_266 : i32
          %ne3A_268 = arith.xori %lt3A_265, %lt3A_267 : i1
          %and3A_269 = arith.andi %ne3A_268, %ne3A_263 : i1
          %add3A_270 = arith.addi %rem3A_261, %select_n3A_260 : i32
          %select_n3A_271 = arith.select %and3A_269, %add3A_270, %rem3A_261 : i32
          %mul3A_272 = arith.constant 16 : i32
          %mul3A_273 = arith.muli %select_n3A_271, %mul3A_272 : i32
          %get3A = arith.constant 0 : i32
          %get3A_274 = arith.index_cast %select_n3A_255 : i32 to index
          %get3A_275 = arith.index_cast %get3A : i32 to index
          %get3A_276 = arith.index_cast %mul3A_273 : i32 to index
          %get3A_277 = tpu.vector_load %arg13[%get3A_274, %get3A_275, %get3A_276] {strides = array<i32>} : memref<8x4x128xf32, #tpu.memory_space<vmem>>, vector<16xf32>,
          %get3A_278 = arith.constant 1 : i32
          %get3A_279 = arith.index_cast %select_n3A_255 : i32 to index
          %get3A_280 = arith.index_cast %get3A_278 : i32 to index
          %get3A_281 = arith.index_cast %mul3A_273 : i32 to index
          %get3A_282 = tpu.vector_load %arg13[%get3A_279, %get3A_280, %get3A_281] {strides = array<i32>} : memref<8x4x128xf32, #tpu.memory_space<vmem>>, vector<16xf32>,
          %get3A_283 = arith.constant 2 : i32
          %get3A_284 = arith.index_cast %select_n3A_255 : i32 to index
          %get3A_285 = arith.index_cast %get3A_283 : i32 to index
          %get3A_286 = arith.index_cast %mul3A_273 : i32 to index
          %get3A_287 = tpu.vector_load %arg13[%get3A_284, %get3A_285, %get3A_286] {strides = array<i32>} : memref<8x4x128xf32, #tpu.memory_space<vmem>>, vector<16xf32>,
          %get3A_288 = arith.constant 3 : i32
          %get3A_289 = arith.index_cast %select_n3A_255 : i32 to index
          %get3A_290 = arith.index_cast %get3A_288 : i32 to index
          %get3A_291 = arith.index_cast %mul3A_273 : i32 to index
          %get3A_292 = tpu.vector_load %arg13[%get3A_289, %get3A_290, %get3A_291] {strides = array<i32>} : memref<8x4x128xf32, #tpu.memory_space<vmem>>, vector<16xf32>,
          %mul3A_293 = arith.constant 16 : i32
          %mul3A_294 = arith.muli %add3A_223, %mul3A_293 : i32
          %get3A_295 = arith.index_cast %mul3A_294 : i32 to index
          %get3A_296 = tpu.vector_load %arg15[%get3A_295] {strides = array<i32>} : memref<1024xf32, #tpu.memory_space<vmem>>, vector<16xf32>,
          %mul3A_297 = arith.mulf %gather3A, %get3A_296 : vector<16xf32>
          %mul3A_298 = arith.constant 1.600000e+01 : f32
          %mul3A_299 = vector.broadcast %mul3A_298 : f32 to vector<16xf32>
          %mul3A_300 = arith.mulf %mul3A_297, %mul3A_299 : vector<16xf32>
          %exp3A = math.exp %mul3A_300 : vector<16xf32>
          %mul3A_301 = arith.mulf %get3A_277, %gather3A_228 : vector<16xf32>
          %mul3A_302 = arith.mulf %get3A_282, %gather3A_229 : vector<16xf32>
          %sub3A_303 = arith.subf %mul3A_301, %mul3A_302 : vector<16xf32>
          %mul3A_304 = arith.mulf %get3A_287, %gather3A_230 : vector<16xf32>
          %sub3A_305 = arith.subf %sub3A_303, %mul3A_304 : vector<16xf32>
          %mul3A_306 = arith.mulf %get3A_292, %gather3A_231 : vector<16xf32>
          %sub3A_307 = arith.subf %sub3A_305, %mul3A_306 : vector<16xf32>
          %mul3A_308 = arith.mulf %get3A_277, %gather3A_229 : vector<16xf32>
          %mul3A_309 = arith.mulf %get3A_282, %gather3A_228 : vector<16xf32>
          %add3A_310 = arith.addf %mul3A_308, %mul3A_309 : vector<16xf32>
          %mul3A_311 = arith.mulf %get3A_287, %gather3A_231 : vector<16xf32>
          %add3A_312 = arith.addf %add3A_310, %mul3A_311 : vector<16xf32>
          %mul3A_313 = arith.mulf %get3A_292, %gather3A_230 : vector<16xf32>
          %sub3A_314 = arith.subf %add3A_312, %mul3A_313 : vector<16xf32>
          %mul3A_315 = arith.mulf %get3A_277, %gather3A_230 : vector<16xf32>
          %mul3A_316 = arith.mulf %get3A_282, %gather3A_231 : vector<16xf32>
          %sub3A_317 = arith.subf %mul3A_315, %mul3A_316 : vector<16xf32>
          %mul3A_318 = arith.mulf %get3A_287, %gather3A_228 : vector<16xf32>
          %add3A_319 = arith.addf %sub3A_317, %mul3A_318 : vector<16xf32>
          %mul3A_320 = arith.mulf %get3A_292, %gather3A_229 : vector<16xf32>
          %add3A_321 = arith.addf %add3A_319, %mul3A_320 : vector<16xf32>
          %mul3A_322 = arith.mulf %get3A_277, %gather3A_231 : vector<16xf32>
          %mul3A_323 = arith.mulf %get3A_282, %gather3A_230 : vector<16xf32>
          %add3A_324 = arith.addf %mul3A_322, %mul3A_323 : vector<16xf32>
          %mul3A_325 = arith.mulf %get3A_287, %gather3A_229 : vector<16xf32>
          %sub3A_326 = arith.subf %add3A_324, %mul3A_325 : vector<16xf32>
          %mul3A_327 = arith.mulf %get3A_292, %gather3A_228 : vector<16xf32>
          %add3A_328 = arith.addf %sub3A_326, %mul3A_327 : vector<16xf32>
          tpu.vector_store_idx %arg19[%add3A_227, %broadcast_in_dim3A_1], %exp3A : memref<1024x8xf32, #tpu.memory_space<vmem>>[vector<16xi32>, vector<16xi32>], vector<16xf32>,
          %mul3A_329 = arith.mulf %exp3A, %sub3A_307 : vector<16xf32>
          tpu.vector_store_idx %arg19[%add3A_227, %broadcast_in_dim3A_3], %mul3A_329 : memref<1024x8xf32, #tpu.memory_space<vmem>>[vector<16xi32>, vector<16xi32>], vector<16xf32>,
          %mul3A_330 = arith.mulf %exp3A, %sub3A_314 : vector<16xf32>
          tpu.vector_store_idx %arg19[%add3A_227, %broadcast_in_dim3A_5], %mul3A_330 : memref<1024x8xf32, #tpu.memory_space<vmem>>[vector<16xi32>, vector<16xi32>], vector<16xf32>,
          %mul3A_331 = arith.mulf %exp3A, %add3A_321 : vector<16xf32>
          tpu.vector_store_idx %arg19[%add3A_227, %broadcast_in_dim3A_7], %mul3A_331 : memref<1024x8xf32, #tpu.memory_space<vmem>>[vector<16xi32>, vector<16xi32>], vector<16xf32>,
          %mul3A_332 = arith.mulf %exp3A, %add3A_328 : vector<16xf32>
          tpu.vector_store_idx %arg19[%add3A_227, %broadcast_in_dim3A_9], %mul3A_332 : memref<1024x8xf32, #tpu.memory_space<vmem>>[vector<16xi32>, vector<16xi32>], vector<16xf32>,
        }
        %scan3A_205 = arith.constant 32 : i32
        %lt3A_206 = arith.constant 6250 : i32
        %lt3A_207 = arith.cmpi slt, %add3A_140, %lt3A_206 : i32
        %convert_element_type3A_208 = arith.extui %lt3A_207 : i1 to i32
        %cond3A_209 = arith.constant 0 : i32
        %cond3A_210 = arith.cmpi ne, %convert_element_type3A_208, %cond3A_209 : i32
        scf.if %cond3A_210 {
          %mul3A_219 = arith.constant 8 : i32
          %mul3A_220 = arith.muli %add3A_140, %mul3A_219 : i32
          %mul3A_221 = arith.constant 1024 : i32
          %mul3A_222 = arith.muli %add3A_140, %mul3A_221 : i32
          %dma_wait3A_223 = arith.constant 0 : i32
          %dma_wait3A_224 = tpu.memref_slice %arg2[%add3A_140, %dma_wait3A_223] : memref<6250x1024xi32, #tpu.memory_space<hbm>> -> memref<1x1024xi32, #tpu.memory_space<hbm>>
          %dma_wait3A_225 = tpu.memref_squeeze %dma_wait3A_224 : memref<1x1024xi32, #tpu.memory_space<hbm>> -> memref<1024xi32, #tpu.memory_space<hbm>>
          %dma_wait3A_226 = arith.constant 0 : i32
          %dma_wait3A_227 = tpu.memref_slice %arg2[%add3A_140, %dma_wait3A_226] : memref<6250x1024xi32, #tpu.memory_space<hbm>> -> memref<1x1024xi32, #tpu.memory_space<hbm>>
          %dma_wait3A_228 = tpu.memref_squeeze %dma_wait3A_227 : memref<1x1024xi32, #tpu.memory_space<hbm>> -> memref<1024xi32, #tpu.memory_space<hbm>>
          tpu.wait_dma2 semaphore(%arg23 : memref<!tpu.dma_semaphore, #tpu.memory_space<semaphore_mem>>) src(%dma_wait3A_228 : memref<1024xi32, #tpu.memory_space<hbm>>) dst(%arg10 : memref<1024xi32, #tpu.memory_space<vmem>>)
          %dma_wait3A_229 = arith.constant 0 : i32
          %dma_wait3A_230 = tpu.memref_slice %arg3[%add3A_140, %dma_wait3A_229] : memref<6250x1024xi32, #tpu.memory_space<hbm>> -> memref<1x1024xi32, #tpu.memory_space<hbm>>
          %dma_wait3A_231 = tpu.memref_squeeze %dma_wait3A_230 : memref<1x1024xi32, #tpu.memory_space<hbm>> -> memref<1024xi32, #tpu.memory_space<hbm>>
          %dma_wait3A_232 = arith.constant 0 : i32
          %dma_wait3A_233 = tpu.memref_slice %arg3[%add3A_140, %dma_wait3A_232] : memref<6250x1024xi32, #tpu.memory_space<hbm>> -> memref<1x1024xi32, #tpu.memory_space<hbm>>
          %dma_wait3A_234 = tpu.memref_squeeze %dma_wait3A_233 : memref<1x1024xi32, #tpu.memory_space<hbm>> -> memref<1024xi32, #tpu.memory_space<hbm>>
          tpu.wait_dma2 semaphore(%arg23 : memref<!tpu.dma_semaphore, #tpu.memory_space<semaphore_mem>>) src(%dma_wait3A_234 : memref<1024xi32, #tpu.memory_space<hbm>>) dst(%arg12 : memref<1024xi32, #tpu.memory_space<vmem>>)
          %dma_wait3A_235 = arith.constant 0 : i32
          %dma_wait3A_236 = arith.constant 0 : i32
          %dma_wait3A_237 = tpu.memref_slice %arg4[%mul3A_220, %dma_wait3A_235, %dma_wait3A_236] : memref<50000x4x128xf32, #tpu.memory_space<hbm>> -> memref<8x4x128xf32, #tpu.memory_space<hbm>>
          %dma_wait3A_238 = arith.constant 0 : i32
          %dma_wait3A_239 = arith.constant 0 : i32
          %dma_wait3A_240 = tpu.memref_slice %arg4[%mul3A_220, %dma_wait3A_238, %dma_wait3A_239] : memref<50000x4x128xf32, #tpu.memory_space<hbm>> -> memref<8x4x128xf32, #tpu.memory_space<hbm>>
          tpu.wait_dma2 semaphore(%arg23 : memref<!tpu.dma_semaphore, #tpu.memory_space<semaphore_mem>>) src(%dma_wait3A_240 : memref<8x4x128xf32, #tpu.memory_space<hbm>>) dst(%arg14 : memref<8x4x128xf32, #tpu.memory_space<vmem>>)
          %dma_wait3A_241 = tpu.memref_slice %arg5[%mul3A_222] : memref<6400000xf32, #tpu.memory_space<hbm>> -> memref<1024xf32, #tpu.memory_space<hbm>>
          %dma_wait3A_242 = tpu.memref_slice %arg5[%mul3A_222] : memref<6400000xf32, #tpu.memory_space<hbm>> -> memref<1024xf32, #tpu.memory_space<hbm>>
          tpu.wait_dma2 semaphore(%arg23 : memref<!tpu.dma_semaphore, #tpu.memory_space<semaphore_mem>>) src(%dma_wait3A_242 : memref<1024xf32, #tpu.memory_space<hbm>>) dst(%arg16 : memref<1024xf32, #tpu.memory_space<vmem>>)
          %dma_start3A_243 = arith.constant 0 : i32
          %dma_start3A_244 = arith.constant 0 : i32
          %dma_start3A_245 = tpu.memref_slice %arg6[%dma_start3A_243, %dma_start3A_244] : memref<100352x8xf32, #tpu.memory_space<hbm>> -> memref<100352x8xf32, #tpu.memory_space<hbm>>
          tpu.enqueue_indirect_dma source(%dma_start3A_245 : memref<100352x8xf32, #tpu.memory_space<hbm>>) target(%arg18 : memref<1024x8xf32, #tpu.memory_space<vmem>>) offsets(%arg10 : memref<1024xi32, #tpu.memory_space<vmem>>) semaphore(%arg25 : memref<!tpu.dma_semaphore, #tpu.memory_space<semaphore_mem>>)
        } else {
        }
        %scan3A_211 = arith.constant 0 : i32
        %scan3A_212 = arith.constant 32 : i32
        %scan3A_213 = arith.addi %scan3A_211, %scan3A_212 : i32
        %scan3A_214 = arith.constant 1 : i32
        scf.for %scan3A_219 = %scan3A_211 to %scan3A_213 step %scan3A_214  : i32 {
          %mul3A_220 = arith.constant 1 : i32
          %mul3A_221 = arith.muli %scan3A_219, %mul3A_220 : i32
          %add3A_222 = arith.constant 32 : i32
          %add3A_223 = arith.addi %add3A_222, %mul3A_221 : i32
          %mul3A_224 = arith.constant 16 : i32
          %mul3A_225 = arith.muli %add3A_223, %mul3A_224 : i32
          %add3A_226 = vector.broadcast %mul3A_225 : i32 to vector<16xi32>
          %add3A_227 = arith.addi %iota3A, %add3A_226 : vector<16xi32>
          %gather3A = tpu.vector_load_idx %arg17[%add3A_227, %broadcast_in_dim3A_1] : memref<1024x8xf32, #tpu.memory_space<vmem>>[vector<16xi32>, vector<16xi32>], vector<16xf32>,
          %gather3A_228 = tpu.vector_load_idx %arg17[%add3A_227, %broadcast_in_dim3A_3] : memref<1024x8xf32, #tpu.memory_space<vmem>>[vector<16xi32>, vector<16xi32>], vector<16xf32>,
          %gather3A_229 = tpu.vector_load_idx %arg17[%add3A_227, %broadcast_in_dim3A_5] : memref<1024x8xf32, #tpu.memory_space<vmem>>[vector<16xi32>, vector<16xi32>], vector<16xf32>,
          %gather3A_230 = tpu.vector_load_idx %arg17[%add3A_227, %broadcast_in_dim3A_7] : memref<1024x8xf32, #tpu.memory_space<vmem>>[vector<16xi32>, vector<16xi32>], vector<16xf32>,
          %gather3A_231 = tpu.vector_load_idx %arg17[%add3A_227, %broadcast_in_dim3A_9] : memref<1024x8xf32, #tpu.memory_space<vmem>>[vector<16xi32>, vector<16xi32>], vector<16xf32>,
          %jit3A_232 = arith.constant 8 : i32
          %div3A_233 = arith.divsi %add3A_223, %jit3A_232 : i32
          %sign3A_234 = arith.constant 0 : i32
          %sign3A_235 = arith.cmpi sgt, %add3A_223, %sign3A_234 : i32
          %sign3A_236 = arith.extui %sign3A_235 : i1 to i32
          %sign3A_237 = arith.constant 0 : i32
          %sign3A_238 = arith.cmpi slt, %add3A_223, %sign3A_237 : i32
          %sign3A_239 = arith.extui %sign3A_238 : i1 to i32
          %sign3A_240 = arith.subi %sign3A_236, %sign3A_239 : i32
          %sign3A_241 = arith.constant 0 : i32
          %sign3A_242 = arith.cmpi sgt, %jit3A_232, %sign3A_241 : i32
          %sign3A_243 = arith.extui %sign3A_242 : i1 to i32
          %sign3A_244 = arith.constant 0 : i32
          %sign3A_245 = arith.cmpi slt, %jit3A_232, %sign3A_244 : i32
          %sign3A_246 = arith.extui %sign3A_245 : i1 to i32
          %sign3A_247 = arith.subi %sign3A_243, %sign3A_246 : i32
          %ne3A_248 = arith.cmpi ne, %sign3A_240, %sign3A_247 : i32
          %rem3A_249 = arith.remsi %add3A_223, %jit3A_232 : i32
          %ne3A_250 = arith.constant 0 : i32
          %ne3A_251 = arith.cmpi ne, %rem3A_249, %ne3A_250 : i32
          %and3A_252 = arith.andi %ne3A_248, %ne3A_251 : i1
          %sub3A_253 = arith.constant 1 : i32
          %sub3A_254 = arith.subi %div3A_233, %sub3A_253 : i32
          %select_n3A_255 = arith.select %and3A_252, %sub3A_254, %div3A_233 : i32
          %jit3A_256 = arith.constant 8 : i32
          %eq3A_257 = arith.constant 0 : i32
          %eq3A_258 = arith.cmpi eq, %jit3A_256, %eq3A_257 : i32
          %jit3A_259 = arith.constant 1 : i32
          %select_n3A_260 = arith.select %eq3A_258, %jit3A_259, %jit3A_256 : i32
          %rem3A_261 = arith.remsi %add3A_223, %select_n3A_260 : i32
          %ne3A_262 = arith.constant 0 : i32
          %ne3A_263 = arith.cmpi ne, %rem3A_261, %ne3A_262 : i32
          %lt3A_264 = arith.constant 0 : i32
          %lt3A_265 = arith.cmpi slt, %rem3A_261, %lt3A_264 : i32
          %lt3A_266 = arith.constant 0 : i32
          %lt3A_267 = arith.cmpi slt, %select_n3A_260, %lt3A_266 : i32
          %ne3A_268 = arith.xori %lt3A_265, %lt3A_267 : i1
          %and3A_269 = arith.andi %ne3A_268, %ne3A_263 : i1
          %add3A_270 = arith.addi %rem3A_261, %select_n3A_260 : i32
          %select_n3A_271 = arith.select %and3A_269, %add3A_270, %rem3A_261 : i32
          %mul3A_272 = arith.constant 16 : i32
          %mul3A_273 = arith.muli %select_n3A_271, %mul3A_272 : i32
          %get3A = arith.constant 0 : i32
          %get3A_274 = arith.index_cast %select_n3A_255 : i32 to index
          %get3A_275 = arith.index_cast %get3A : i32 to index
          %get3A_276 = arith.index_cast %mul3A_273 : i32 to index
          %get3A_277 = tpu.vector_load %arg13[%get3A_274, %get3A_275, %get3A_276] {strides = array<i32>} : memref<8x4x128xf32, #tpu.memory_space<vmem>>, vector<16xf32>,
          %get3A_278 = arith.constant 1 : i32
          %get3A_279 = arith.index_cast %select_n3A_255 : i32 to index
          %get3A_280 = arith.index_cast %get3A_278 : i32 to index
          %get3A_281 = arith.index_cast %mul3A_273 : i32 to index
          %get3A_282 = tpu.vector_load %arg13[%get3A_279, %get3A_280, %get3A_281] {strides = array<i32>} : memref<8x4x128xf32, #tpu.memory_space<vmem>>, vector<16xf32>,
          %get3A_283 = arith.constant 2 : i32
          %get3A_284 = arith.index_cast %select_n3A_255 : i32 to index
          %get3A_285 = arith.index_cast %get3A_283 : i32 to index
          %get3A_286 = arith.index_cast %mul3A_273 : i32 to index
          %get3A_287 = tpu.vector_load %arg13[%get3A_284, %get3A_285, %get3A_286] {strides = array<i32>} : memref<8x4x128xf32, #tpu.memory_space<vmem>>, vector<16xf32>,
          %get3A_288 = arith.constant 3 : i32
          %get3A_289 = arith.index_cast %select_n3A_255 : i32 to index
          %get3A_290 = arith.index_cast %get3A_288 : i32 to index
          %get3A_291 = arith.index_cast %mul3A_273 : i32 to index
          %get3A_292 = tpu.vector_load %arg13[%get3A_289, %get3A_290, %get3A_291] {strides = array<i32>} : memref<8x4x128xf32, #tpu.memory_space<vmem>>, vector<16xf32>,
          %mul3A_293 = arith.constant 16 : i32
          %mul3A_294 = arith.muli %add3A_223, %mul3A_293 : i32
          %get3A_295 = arith.index_cast %mul3A_294 : i32 to index
          %get3A_296 = tpu.vector_load %arg15[%get3A_295] {strides = array<i32>} : memref<1024xf32, #tpu.memory_space<vmem>>, vector<16xf32>,
          %mul3A_297 = arith.mulf %gather3A, %get3A_296 : vector<16xf32>
          %mul3A_298 = arith.constant 1.600000e+01 : f32
          %mul3A_299 = vector.broadcast %mul3A_298 : f32 to vector<16xf32>
          %mul3A_300 = arith.mulf %mul3A_297, %mul3A_299 : vector<16xf32>
          %exp3A = math.exp %mul3A_300 : vector<16xf32>
          %mul3A_301 = arith.mulf %get3A_277, %gather3A_228 : vector<16xf32>
          %mul3A_302 = arith.mulf %get3A_282, %gather3A_229 : vector<16xf32>
          %sub3A_303 = arith.subf %mul3A_301, %mul3A_302 : vector<16xf32>
          %mul3A_304 = arith.mulf %get3A_287, %gather3A_230 : vector<16xf32>
          %sub3A_305 = arith.subf %sub3A_303, %mul3A_304 : vector<16xf32>
          %mul3A_306 = arith.mulf %get3A_292, %gather3A_231 : vector<16xf32>
          %sub3A_307 = arith.subf %sub3A_305, %mul3A_306 : vector<16xf32>
          %mul3A_308 = arith.mulf %get3A_277, %gather3A_229 : vector<16xf32>
          %mul3A_309 = arith.mulf %get3A_282, %gather3A_228 : vector<16xf32>
          %add3A_310 = arith.addf %mul3A_308, %mul3A_309 : vector<16xf32>
          %mul3A_311 = arith.mulf %get3A_287, %gather3A_231 : vector<16xf32>
          %add3A_312 = arith.addf %add3A_310, %mul3A_311 : vector<16xf32>
          %mul3A_313 = arith.mulf %get3A_292, %gather3A_230 : vector<16xf32>
          %sub3A_314 = arith.subf %add3A_312, %mul3A_313 : vector<16xf32>
          %mul3A_315 = arith.mulf %get3A_277, %gather3A_230 : vector<16xf32>
          %mul3A_316 = arith.mulf %get3A_282, %gather3A_231 : vector<16xf32>
          %sub3A_317 = arith.subf %mul3A_315, %mul3A_316 : vector<16xf32>
          %mul3A_318 = arith.mulf %get3A_287, %gather3A_228 : vector<16xf32>
          %add3A_319 = arith.addf %sub3A_317, %mul3A_318 : vector<16xf32>
          %mul3A_320 = arith.mulf %get3A_292, %gather3A_229 : vector<16xf32>
          %add3A_321 = arith.addf %add3A_319, %mul3A_320 : vector<16xf32>
          %mul3A_322 = arith.mulf %get3A_277, %gather3A_231 : vector<16xf32>
          %mul3A_323 = arith.mulf %get3A_282, %gather3A_230 : vector<16xf32>
          %add3A_324 = arith.addf %mul3A_322, %mul3A_323 : vector<16xf32>
          %mul3A_325 = arith.mulf %get3A_287, %gather3A_229 : vector<16xf32>
          %sub3A_326 = arith.subf %add3A_324, %mul3A_325 : vector<16xf32>
          %mul3A_327 = arith.mulf %get3A_292, %gather3A_228 : vector<16xf32>
          %add3A_328 = arith.addf %sub3A_326, %mul3A_327 : vector<16xf32>
          tpu.vector_store_idx %arg19[%add3A_227, %broadcast_in_dim3A_1], %exp3A : memref<1024x8xf32, #tpu.memory_space<vmem>>[vector<16xi32>, vector<16xi32>], vector<16xf32>,
          %mul3A_329 = arith.mulf %exp3A, %sub3A_307 : vector<16xf32>
          tpu.vector_store_idx %arg19[%add3A_227, %broadcast_in_dim3A_3], %mul3A_329 : memref<1024x8xf32, #tpu.memory_space<vmem>>[vector<16xi32>, vector<16xi32>], vector<16xf32>,
          %mul3A_330 = arith.mulf %exp3A, %sub3A_314 : vector<16xf32>
          tpu.vector_store_idx %arg19[%add3A_227, %broadcast_in_dim3A_5], %mul3A_330 : memref<1024x8xf32, #tpu.memory_space<vmem>>[vector<16xi32>, vector<16xi32>], vector<16xf32>,
          %mul3A_331 = arith.mulf %exp3A, %add3A_321 : vector<16xf32>
          tpu.vector_store_idx %arg19[%add3A_227, %broadcast_in_dim3A_7], %mul3A_331 : memref<1024x8xf32, #tpu.memory_space<vmem>>[vector<16xi32>, vector<16xi32>], vector<16xf32>,
          %mul3A_332 = arith.mulf %exp3A, %add3A_328 : vector<16xf32>
          tpu.vector_store_idx %arg19[%add3A_227, %broadcast_in_dim3A_9], %mul3A_332 : memref<1024x8xf32, #tpu.memory_space<vmem>>[vector<16xi32>, vector<16xi32>], vector<16xf32>,
        }
        %scan3A_215 = arith.constant 32 : i32
        %dma_start3A_216 = arith.constant 0 : i32
        %dma_start3A_217 = arith.constant 0 : i32
        %dma_start3A_218 = tpu.memref_slice %arg21[%dma_start3A_216, %dma_start3A_217] : memref<100352x8xf32, #tpu.memory_space<vmem_shared>> -> memref<100352x8xf32, #tpu.memory_space<vmem_shared>>
        tpu.enqueue_indirect_dma source(%arg19 : memref<1024x8xf32, #tpu.memory_space<vmem>>) target(%dma_start3A_218 : memref<100352x8xf32, #tpu.memory_space<vmem_shared>>) offsets(%arg11 : memref<1024xi32, #tpu.memory_space<vmem>>) semaphore(%arg26 : memref<!tpu.dma_semaphore, #tpu.memory_space<semaphore_mem>>) {add = true}
      } else {
      }
      %jit3A_165 = arith.constant 2 : i32
      %eq3A_166 = arith.constant 0 : i32
      %eq3A_167 = arith.cmpi eq, %jit3A_165, %eq3A_166 : i32
      %jit3A_168 = arith.constant 1 : i32
      %select_n3A_169 = arith.select %eq3A_167, %jit3A_168, %jit3A_165 : i32
      %rem3A_170 = arith.remsi %add3A_135, %select_n3A_169 : i32
      %ne3A_171 = arith.constant 0 : i32
      %ne3A_172 = arith.cmpi ne, %rem3A_170, %ne3A_171 : i32
      %lt3A_173 = arith.constant 0 : i32
      %lt3A_174 = arith.cmpi slt, %rem3A_170, %lt3A_173 : i32
      %lt3A_175 = arith.constant 0 : i32
      %lt3A_176 = arith.cmpi slt, %select_n3A_169, %lt3A_175 : i32
      %ne3A_177 = arith.xori %lt3A_174, %lt3A_176 : i1
      %and3A_178 = arith.andi %ne3A_177, %ne3A_172 : i1
      %add3A_179 = arith.addi %rem3A_170, %select_n3A_169 : i32
      %select_n3A_180 = arith.select %and3A_178, %add3A_179, %rem3A_170 : i32
      %eq3A_181 = arith.constant 1 : i32
      %eq3A_182 = arith.cmpi eq, %select_n3A_180, %eq3A_181 : i32
      %lt3A_183 = arith.constant 6250 : i32
      %lt3A_184 = arith.cmpi slt, %add3A_138, %lt3A_183 : i32
      %and3A_185 = arith.andi %eq3A_182, %lt3A_184 : i1
      %convert_element_type3A_186 = arith.extui %and3A_185 : i1 to i32
      %cond3A_187 = arith.constant 0 : i32
      %cond3A_188 = arith.cmpi ne, %convert_element_type3A_186, %cond3A_187 : i32
      scf.if %cond3A_188 {
        %gt3A = arith.constant 0 : i32
        %gt3A_189 = arith.cmpi sgt, %add3A_135, %gt3A : i32
        %convert_element_type3A_190 = arith.extui %gt3A_189 : i1 to i32
        %cond3A_191 = arith.constant 0 : i32
        %cond3A_192 = arith.cmpi ne, %convert_element_type3A_190, %cond3A_191 : i32
        scf.if %cond3A_192 {
          %dma_wait3A_219 = arith.constant 0 : i32
          %dma_wait3A_220 = arith.constant 0 : i32
          %dma_wait3A_221 = tpu.memref_slice %arg21[%dma_wait3A_219, %dma_wait3A_220] : memref<100352x8xf32, #tpu.memory_space<vmem_shared>> -> memref<100352x8xf32, #tpu.memory_space<vmem_shared>>
          tpu.wait_indirect_dma semaphore(%arg26 : memref<!tpu.dma_semaphore, #tpu.memory_space<semaphore_mem>>) src(%arg19 : memref<1024x8xf32, #tpu.memory_space<vmem>>) dst(%dma_wait3A_221 : memref<100352x8xf32, #tpu.memory_space<vmem_shared>>)
        } else {
        }
        %lt3A_193 = arith.constant 6250 : i32
        %lt3A_194 = arith.cmpi slt, %add3A_140, %lt3A_193 : i32
        %convert_element_type3A_195 = arith.extui %lt3A_194 : i1 to i32
        %cond3A_196 = arith.constant 0 : i32
        %cond3A_197 = arith.cmpi ne, %convert_element_type3A_195, %cond3A_196 : i32
        scf.if %cond3A_197 {
          %mul3A_219 = arith.constant 8 : i32
          %mul3A_220 = arith.muli %add3A_140, %mul3A_219 : i32
          %mul3A_221 = arith.constant 1024 : i32
          %mul3A_222 = arith.muli %add3A_140, %mul3A_221 : i32
          %dma_start3A_223 = arith.constant 0 : i32
          %dma_start3A_224 = tpu.memref_slice %arg2[%add3A_140, %dma_start3A_223] : memref<6250x1024xi32, #tpu.memory_space<hbm>> -> memref<1x1024xi32, #tpu.memory_space<hbm>>
          %dma_start3A_225 = tpu.memref_squeeze %dma_start3A_224 : memref<1x1024xi32, #tpu.memory_space<hbm>> -> memref<1024xi32, #tpu.memory_space<hbm>>
          %dma_start3A_226 = arith.constant 0 : i32
          %dma_start3A_227 = tpu.memref_slice %arg2[%add3A_140, %dma_start3A_226] : memref<6250x1024xi32, #tpu.memory_space<hbm>> -> memref<1x1024xi32, #tpu.memory_space<hbm>>
          %dma_start3A_228 = tpu.memref_squeeze %dma_start3A_227 : memref<1x1024xi32, #tpu.memory_space<hbm>> -> memref<1024xi32, #tpu.memory_space<hbm>>
          tpu.enqueue_dma source(%dma_start3A_228 : memref<1024xi32, #tpu.memory_space<hbm>>) target(%arg9 : memref<1024xi32, #tpu.memory_space<vmem>>) target_semaphore(%arg22 : memref<!tpu.dma_semaphore, #tpu.memory_space<semaphore_mem>>)
          %dma_start3A_229 = arith.constant 0 : i32
          %dma_start3A_230 = tpu.memref_slice %arg3[%add3A_140, %dma_start3A_229] : memref<6250x1024xi32, #tpu.memory_space<hbm>> -> memref<1x1024xi32, #tpu.memory_space<hbm>>
          %dma_start3A_231 = tpu.memref_squeeze %dma_start3A_230 : memref<1x1024xi32, #tpu.memory_space<hbm>> -> memref<1024xi32, #tpu.memory_space<hbm>>
          %dma_start3A_232 = arith.constant 0 : i32
          %dma_start3A_233 = tpu.memref_slice %arg3[%add3A_140, %dma_start3A_232] : memref<6250x1024xi32, #tpu.memory_space<hbm>> -> memref<1x1024xi32, #tpu.memory_space<hbm>>
          %dma_start3A_234 = tpu.memref_squeeze %dma_start3A_233 : memref<1x1024xi32, #tpu.memory_space<hbm>> -> memref<1024xi32, #tpu.memory_space<hbm>>
          tpu.enqueue_dma source(%dma_start3A_234 : memref<1024xi32, #tpu.memory_space<hbm>>) target(%arg11 : memref<1024xi32, #tpu.memory_space<vmem>>) target_semaphore(%arg22 : memref<!tpu.dma_semaphore, #tpu.memory_space<semaphore_mem>>)
          %dma_start3A_235 = arith.constant 0 : i32
          %dma_start3A_236 = arith.constant 0 : i32
          %dma_start3A_237 = tpu.memref_slice %arg4[%mul3A_220, %dma_start3A_235, %dma_start3A_236] : memref<50000x4x128xf32, #tpu.memory_space<hbm>> -> memref<8x4x128xf32, #tpu.memory_space<hbm>>
          %dma_start3A_238 = arith.constant 0 : i32
          %dma_start3A_239 = arith.constant 0 : i32
          %dma_start3A_240 = tpu.memref_slice %arg4[%mul3A_220, %dma_start3A_238, %dma_start3A_239] : memref<50000x4x128xf32, #tpu.memory_space<hbm>> -> memref<8x4x128xf32, #tpu.memory_space<hbm>>
          tpu.enqueue_dma source(%dma_start3A_240 : memref<8x4x128xf32, #tpu.memory_space<hbm>>) target(%arg13 : memref<8x4x128xf32, #tpu.memory_space<vmem>>) target_semaphore(%arg22 : memref<!tpu.dma_semaphore, #tpu.memory_space<semaphore_mem>>)
          %dma_start3A_241 = tpu.memref_slice %arg5[%mul3A_222] : memref<6400000xf32, #tpu.memory_space<hbm>> -> memref<1024xf32, #tpu.memory_space<hbm>>
          %dma_start3A_242 = tpu.memref_slice %arg5[%mul3A_222] : memref<6400000xf32, #tpu.memory_space<hbm>> -> memref<1024xf32, #tpu.memory_space<hbm>>
          tpu.enqueue_dma source(%dma_start3A_242 : memref<1024xf32, #tpu.memory_space<hbm>>) target(%arg15 : memref<1024xf32, #tpu.memory_space<vmem>>) target_semaphore(%arg22 : memref<!tpu.dma_semaphore, #tpu.memory_space<semaphore_mem>>)
        } else {
        }
        %dma_wait3A_198 = arith.constant 0 : i32
        %dma_wait3A_199 = arith.constant 0 : i32
        %dma_wait3A_200 = tpu.memref_slice %arg6[%dma_wait3A_198, %dma_wait3A_199] : memref<100352x8xf32, #tpu.memory_space<hbm>> -> memref<100352x8xf32, #tpu.memory_space<hbm>>
        tpu.wait_indirect_dma semaphore(%arg25 : memref<!tpu.dma_semaphore, #tpu.memory_space<semaphore_mem>>) src(%dma_wait3A_200 : memref<100352x8xf32, #tpu.memory_space<hbm>>) dst(%arg18 : memref<1024x8xf32, #tpu.memory_space<vmem>>)
        %scan3A_201 = arith.constant 0 : i32
        %scan3A_202 = arith.constant 32 : i32
        %scan3A_203 = arith.addi %scan3A_201, %scan3A_202 : i32
        %scan3A_204 = arith.constant 1 : i32
        scf.for %scan3A_219 = %scan3A_201 to %scan3A_203 step %scan3A_204  : i32 {
          %mul3A_220 = arith.constant 1 : i32
          %mul3A_221 = arith.muli %scan3A_219, %mul3A_220 : i32
          %add3A_222 = arith.constant 0 : i32
          %add3A_223 = arith.addi %add3A_222, %mul3A_221 : i32
          %mul3A_224 = arith.constant 16 : i32
          %mul3A_225 = arith.muli %add3A_223, %mul3A_224 : i32
          %add3A_226 = vector.broadcast %mul3A_225 : i32 to vector<16xi32>
          %add3A_227 = arith.addi %iota3A, %add3A_226 : vector<16xi32>
          %gather3A = tpu.vector_load_idx %arg18[%add3A_227, %broadcast_in_dim3A_1] : memref<1024x8xf32, #tpu.memory_space<vmem>>[vector<16xi32>, vector<16xi32>], vector<16xf32>,
          %gather3A_228 = tpu.vector_load_idx %arg18[%add3A_227, %broadcast_in_dim3A_3] : memref<1024x8xf32, #tpu.memory_space<vmem>>[vector<16xi32>, vector<16xi32>], vector<16xf32>,
          %gather3A_229 = tpu.vector_load_idx %arg18[%add3A_227, %broadcast_in_dim3A_5] : memref<1024x8xf32, #tpu.memory_space<vmem>>[vector<16xi32>, vector<16xi32>], vector<16xf32>,
          %gather3A_230 = tpu.vector_load_idx %arg18[%add3A_227, %broadcast_in_dim3A_7] : memref<1024x8xf32, #tpu.memory_space<vmem>>[vector<16xi32>, vector<16xi32>], vector<16xf32>,
          %gather3A_231 = tpu.vector_load_idx %arg18[%add3A_227, %broadcast_in_dim3A_9] : memref<1024x8xf32, #tpu.memory_space<vmem>>[vector<16xi32>, vector<16xi32>], vector<16xf32>,
          %jit3A_232 = arith.constant 8 : i32
          %div3A_233 = arith.divsi %add3A_223, %jit3A_232 : i32
          %sign3A_234 = arith.constant 0 : i32
          %sign3A_235 = arith.cmpi sgt, %add3A_223, %sign3A_234 : i32
          %sign3A_236 = arith.extui %sign3A_235 : i1 to i32
          %sign3A_237 = arith.constant 0 : i32
          %sign3A_238 = arith.cmpi slt, %add3A_223, %sign3A_237 : i32
          %sign3A_239 = arith.extui %sign3A_238 : i1 to i32
          %sign3A_240 = arith.subi %sign3A_236, %sign3A_239 : i32
          %sign3A_241 = arith.constant 0 : i32
          %sign3A_242 = arith.cmpi sgt, %jit3A_232, %sign3A_241 : i32
          %sign3A_243 = arith.extui %sign3A_242 : i1 to i32
          %sign3A_244 = arith.constant 0 : i32
          %sign3A_245 = arith.cmpi slt, %jit3A_232, %sign3A_244 : i32
          %sign3A_246 = arith.extui %sign3A_245 : i1 to i32
          %sign3A_247 = arith.subi %sign3A_243, %sign3A_246 : i32
          %ne3A_248 = arith.cmpi ne, %sign3A_240, %sign3A_247 : i32
          %rem3A_249 = arith.remsi %add3A_223, %jit3A_232 : i32
          %ne3A_250 = arith.constant 0 : i32
          %ne3A_251 = arith.cmpi ne, %rem3A_249, %ne3A_250 : i32
          %and3A_252 = arith.andi %ne3A_248, %ne3A_251 : i1
          %sub3A_253 = arith.constant 1 : i32
          %sub3A_254 = arith.subi %div3A_233, %sub3A_253 : i32
          %select_n3A_255 = arith.select %and3A_252, %sub3A_254, %div3A_233 : i32
          %jit3A_256 = arith.constant 8 : i32
          %eq3A_257 = arith.constant 0 : i32
          %eq3A_258 = arith.cmpi eq, %jit3A_256, %eq3A_257 : i32
          %jit3A_259 = arith.constant 1 : i32
          %select_n3A_260 = arith.select %eq3A_258, %jit3A_259, %jit3A_256 : i32
          %rem3A_261 = arith.remsi %add3A_223, %select_n3A_260 : i32
          %ne3A_262 = arith.constant 0 : i32
          %ne3A_263 = arith.cmpi ne, %rem3A_261, %ne3A_262 : i32
          %lt3A_264 = arith.constant 0 : i32
          %lt3A_265 = arith.cmpi slt, %rem3A_261, %lt3A_264 : i32
          %lt3A_266 = arith.constant 0 : i32
          %lt3A_267 = arith.cmpi slt, %select_n3A_260, %lt3A_266 : i32
          %ne3A_268 = arith.xori %lt3A_265, %lt3A_267 : i1
          %and3A_269 = arith.andi %ne3A_268, %ne3A_263 : i1
          %add3A_270 = arith.addi %rem3A_261, %select_n3A_260 : i32
          %select_n3A_271 = arith.select %and3A_269, %add3A_270, %rem3A_261 : i32
          %mul3A_272 = arith.constant 16 : i32
          %mul3A_273 = arith.muli %select_n3A_271, %mul3A_272 : i32
          %get3A = arith.constant 0 : i32
          %get3A_274 = arith.index_cast %select_n3A_255 : i32 to index
          %get3A_275 = arith.index_cast %get3A : i32 to index
          %get3A_276 = arith.index_cast %mul3A_273 : i32 to index
          %get3A_277 = tpu.vector_load %arg14[%get3A_274, %get3A_275, %get3A_276] {strides = array<i32>} : memref<8x4x128xf32, #tpu.memory_space<vmem>>, vector<16xf32>,
          %get3A_278 = arith.constant 1 : i32
          %get3A_279 = arith.index_cast %select_n3A_255 : i32 to index
          %get3A_280 = arith.index_cast %get3A_278 : i32 to index
          %get3A_281 = arith.index_cast %mul3A_273 : i32 to index
          %get3A_282 = tpu.vector_load %arg14[%get3A_279, %get3A_280, %get3A_281] {strides = array<i32>} : memref<8x4x128xf32, #tpu.memory_space<vmem>>, vector<16xf32>,
          %get3A_283 = arith.constant 2 : i32
          %get3A_284 = arith.index_cast %select_n3A_255 : i32 to index
          %get3A_285 = arith.index_cast %get3A_283 : i32 to index
          %get3A_286 = arith.index_cast %mul3A_273 : i32 to index
          %get3A_287 = tpu.vector_load %arg14[%get3A_284, %get3A_285, %get3A_286] {strides = array<i32>} : memref<8x4x128xf32, #tpu.memory_space<vmem>>, vector<16xf32>,
          %get3A_288 = arith.constant 3 : i32
          %get3A_289 = arith.index_cast %select_n3A_255 : i32 to index
          %get3A_290 = arith.index_cast %get3A_288 : i32 to index
          %get3A_291 = arith.index_cast %mul3A_273 : i32 to index
          %get3A_292 = tpu.vector_load %arg14[%get3A_289, %get3A_290, %get3A_291] {strides = array<i32>} : memref<8x4x128xf32, #tpu.memory_space<vmem>>, vector<16xf32>,
          %mul3A_293 = arith.constant 16 : i32
          %mul3A_294 = arith.muli %add3A_223, %mul3A_293 : i32
          %get3A_295 = arith.index_cast %mul3A_294 : i32 to index
          %get3A_296 = tpu.vector_load %arg16[%get3A_295] {strides = array<i32>} : memref<1024xf32, #tpu.memory_space<vmem>>, vector<16xf32>,
          %mul3A_297 = arith.mulf %gather3A, %get3A_296 : vector<16xf32>
          %mul3A_298 = arith.constant 1.600000e+01 : f32
          %mul3A_299 = vector.broadcast %mul3A_298 : f32 to vector<16xf32>
          %mul3A_300 = arith.mulf %mul3A_297, %mul3A_299 : vector<16xf32>
          %exp3A = math.exp %mul3A_300 : vector<16xf32>
          %mul3A_301 = arith.mulf %get3A_277, %gather3A_228 : vector<16xf32>
          %mul3A_302 = arith.mulf %get3A_282, %gather3A_229 : vector<16xf32>
          %sub3A_303 = arith.subf %mul3A_301, %mul3A_302 : vector<16xf32>
          %mul3A_304 = arith.mulf %get3A_287, %gather3A_230 : vector<16xf32>
          %sub3A_305 = arith.subf %sub3A_303, %mul3A_304 : vector<16xf32>
          %mul3A_306 = arith.mulf %get3A_292, %gather3A_231 : vector<16xf32>
          %sub3A_307 = arith.subf %sub3A_305, %mul3A_306 : vector<16xf32>
          %mul3A_308 = arith.mulf %get3A_277, %gather3A_229 : vector<16xf32>
          %mul3A_309 = arith.mulf %get3A_282, %gather3A_228 : vector<16xf32>
          %add3A_310 = arith.addf %mul3A_308, %mul3A_309 : vector<16xf32>
          %mul3A_311 = arith.mulf %get3A_287, %gather3A_231 : vector<16xf32>
          %add3A_312 = arith.addf %add3A_310, %mul3A_311 : vector<16xf32>
          %mul3A_313 = arith.mulf %get3A_292, %gather3A_230 : vector<16xf32>
          %sub3A_314 = arith.subf %add3A_312, %mul3A_313 : vector<16xf32>
          %mul3A_315 = arith.mulf %get3A_277, %gather3A_230 : vector<16xf32>
          %mul3A_316 = arith.mulf %get3A_282, %gather3A_231 : vector<16xf32>
          %sub3A_317 = arith.subf %mul3A_315, %mul3A_316 : vector<16xf32>
          %mul3A_318 = arith.mulf %get3A_287, %gather3A_228 : vector<16xf32>
          %add3A_319 = arith.addf %sub3A_317, %mul3A_318 : vector<16xf32>
          %mul3A_320 = arith.mulf %get3A_292, %gather3A_229 : vector<16xf32>
          %add3A_321 = arith.addf %add3A_319, %mul3A_320 : vector<16xf32>
          %mul3A_322 = arith.mulf %get3A_277, %gather3A_231 : vector<16xf32>
          %mul3A_323 = arith.mulf %get3A_282, %gather3A_230 : vector<16xf32>
          %add3A_324 = arith.addf %mul3A_322, %mul3A_323 : vector<16xf32>
          %mul3A_325 = arith.mulf %get3A_287, %gather3A_229 : vector<16xf32>
          %sub3A_326 = arith.subf %add3A_324, %mul3A_325 : vector<16xf32>
          %mul3A_327 = arith.mulf %get3A_292, %gather3A_228 : vector<16xf32>
          %add3A_328 = arith.addf %sub3A_326, %mul3A_327 : vector<16xf32>
          tpu.vector_store_idx %arg20[%add3A_227, %broadcast_in_dim3A_1], %exp3A : memref<1024x8xf32, #tpu.memory_space<vmem>>[vector<16xi32>, vector<16xi32>], vector<16xf32>,
          %mul3A_329 = arith.mulf %exp3A, %sub3A_307 : vector<16xf32>
          tpu.vector_store_idx %arg20[%add3A_227, %broadcast_in_dim3A_3], %mul3A_329 : memref<1024x8xf32, #tpu.memory_space<vmem>>[vector<16xi32>, vector<16xi32>], vector<16xf32>,
          %mul3A_330 = arith.mulf %exp3A, %sub3A_314 : vector<16xf32>
          tpu.vector_store_idx %arg20[%add3A_227, %broadcast_in_dim3A_5], %mul3A_330 : memref<1024x8xf32, #tpu.memory_space<vmem>>[vector<16xi32>, vector<16xi32>], vector<16xf32>,
          %mul3A_331 = arith.mulf %exp3A, %add3A_321 : vector<16xf32>
          tpu.vector_store_idx %arg20[%add3A_227, %broadcast_in_dim3A_7], %mul3A_331 : memref<1024x8xf32, #tpu.memory_space<vmem>>[vector<16xi32>, vector<16xi32>], vector<16xf32>,
          %mul3A_332 = arith.mulf %exp3A, %add3A_328 : vector<16xf32>
          tpu.vector_store_idx %arg20[%add3A_227, %broadcast_in_dim3A_9], %mul3A_332 : memref<1024x8xf32, #tpu.memory_space<vmem>>[vector<16xi32>, vector<16xi32>], vector<16xf32>,
        }
        %scan3A_205 = arith.constant 32 : i32
        %lt3A_206 = arith.constant 6250 : i32
        %lt3A_207 = arith.cmpi slt, %add3A_140, %lt3A_206 : i32
        %convert_element_type3A_208 = arith.extui %lt3A_207 : i1 to i32
        %cond3A_209 = arith.constant 0 : i32
        %cond3A_210 = arith.cmpi ne, %convert_element_type3A_208, %cond3A_209 : i32
        scf.if %cond3A_210 {
          %mul3A_219 = arith.constant 8 : i32
          %mul3A_220 = arith.muli %add3A_140, %mul3A_219 : i32
          %mul3A_221 = arith.constant 1024 : i32
          %mul3A_222 = arith.muli %add3A_140, %mul3A_221 : i32
          %dma_wait3A_223 = arith.constant 0 : i32
          %dma_wait3A_224 = tpu.memref_slice %arg2[%add3A_140, %dma_wait3A_223] : memref<6250x1024xi32, #tpu.memory_space<hbm>> -> memref<1x1024xi32, #tpu.memory_space<hbm>>
          %dma_wait3A_225 = tpu.memref_squeeze %dma_wait3A_224 : memref<1x1024xi32, #tpu.memory_space<hbm>> -> memref<1024xi32, #tpu.memory_space<hbm>>
          %dma_wait3A_226 = arith.constant 0 : i32
          %dma_wait3A_227 = tpu.memref_slice %arg2[%add3A_140, %dma_wait3A_226] : memref<6250x1024xi32, #tpu.memory_space<hbm>> -> memref<1x1024xi32, #tpu.memory_space<hbm>>
          %dma_wait3A_228 = tpu.memref_squeeze %dma_wait3A_227 : memref<1x1024xi32, #tpu.memory_space<hbm>> -> memref<1024xi32, #tpu.memory_space<hbm>>
          tpu.wait_dma2 semaphore(%arg22 : memref<!tpu.dma_semaphore, #tpu.memory_space<semaphore_mem>>) src(%dma_wait3A_228 : memref<1024xi32, #tpu.memory_space<hbm>>) dst(%arg9 : memref<1024xi32, #tpu.memory_space<vmem>>)
          %dma_wait3A_229 = arith.constant 0 : i32
          %dma_wait3A_230 = tpu.memref_slice %arg3[%add3A_140, %dma_wait3A_229] : memref<6250x1024xi32, #tpu.memory_space<hbm>> -> memref<1x1024xi32, #tpu.memory_space<hbm>>
          %dma_wait3A_231 = tpu.memref_squeeze %dma_wait3A_230 : memref<1x1024xi32, #tpu.memory_space<hbm>> -> memref<1024xi32, #tpu.memory_space<hbm>>
          %dma_wait3A_232 = arith.constant 0 : i32
          %dma_wait3A_233 = tpu.memref_slice %arg3[%add3A_140, %dma_wait3A_232] : memref<6250x1024xi32, #tpu.memory_space<hbm>> -> memref<1x1024xi32, #tpu.memory_space<hbm>>
          %dma_wait3A_234 = tpu.memref_squeeze %dma_wait3A_233 : memref<1x1024xi32, #tpu.memory_space<hbm>> -> memref<1024xi32, #tpu.memory_space<hbm>>
          tpu.wait_dma2 semaphore(%arg22 : memref<!tpu.dma_semaphore, #tpu.memory_space<semaphore_mem>>) src(%dma_wait3A_234 : memref<1024xi32, #tpu.memory_space<hbm>>) dst(%arg11 : memref<1024xi32, #tpu.memory_space<vmem>>)
          %dma_wait3A_235 = arith.constant 0 : i32
          %dma_wait3A_236 = arith.constant 0 : i32
          %dma_wait3A_237 = tpu.memref_slice %arg4[%mul3A_220, %dma_wait3A_235, %dma_wait3A_236] : memref<50000x4x128xf32, #tpu.memory_space<hbm>> -> memref<8x4x128xf32, #tpu.memory_space<hbm>>
          %dma_wait3A_238 = arith.constant 0 : i32
          %dma_wait3A_239 = arith.constant 0 : i32
          %dma_wait3A_240 = tpu.memref_slice %arg4[%mul3A_220, %dma_wait3A_238, %dma_wait3A_239] : memref<50000x4x128xf32, #tpu.memory_space<hbm>> -> memref<8x4x128xf32, #tpu.memory_space<hbm>>
          tpu.wait_dma2 semaphore(%arg22 : memref<!tpu.dma_semaphore, #tpu.memory_space<semaphore_mem>>) src(%dma_wait3A_240 : memref<8x4x128xf32, #tpu.memory_space<hbm>>) dst(%arg13 : memref<8x4x128xf32, #tpu.memory_space<vmem>>)
          %dma_wait3A_241 = tpu.memref_slice %arg5[%mul3A_222] : memref<6400000xf32, #tpu.memory_space<hbm>> -> memref<1024xf32, #tpu.memory_space<hbm>>
          %dma_wait3A_242 = tpu.memref_slice %arg5[%mul3A_222] : memref<6400000xf32, #tpu.memory_space<hbm>> -> memref<1024xf32, #tpu.memory_space<hbm>>
          tpu.wait_dma2 semaphore(%arg22 : memref<!tpu.dma_semaphore, #tpu.memory_space<semaphore_mem>>) src(%dma_wait3A_242 : memref<1024xf32, #tpu.memory_space<hbm>>) dst(%arg15 : memref<1024xf32, #tpu.memory_space<vmem>>)
          %dma_start3A_243 = arith.constant 0 : i32
          %dma_start3A_244 = arith.constant 0 : i32
          %dma_start3A_245 = tpu.memref_slice %arg6[%dma_start3A_243, %dma_start3A_244] : memref<100352x8xf32, #tpu.memory_space<hbm>> -> memref<100352x8xf32, #tpu.memory_space<hbm>>
          tpu.enqueue_indirect_dma source(%dma_start3A_245 : memref<100352x8xf32, #tpu.memory_space<hbm>>) target(%arg17 : memref<1024x8xf32, #tpu.memory_space<vmem>>) offsets(%arg9 : memref<1024xi32, #tpu.memory_space<vmem>>) semaphore(%arg24 : memref<!tpu.dma_semaphore, #tpu.memory_space<semaphore_mem>>)
        } else {
        }
        %scan3A_211 = arith.constant 0 : i32
        %scan3A_212 = arith.constant 32 : i32
        %scan3A_213 = arith.addi %scan3A_211, %scan3A_212 : i32
        %scan3A_214 = arith.constant 1 : i32
        scf.for %scan3A_219 = %scan3A_211 to %scan3A_213 step %scan3A_214  : i32 {
          %mul3A_220 = arith.constant 1 : i32
          %mul3A_221 = arith.muli %scan3A_219, %mul3A_220 : i32
          %add3A_222 = arith.constant 32 : i32
          %add3A_223 = arith.addi %add3A_222, %mul3A_221 : i32
          %mul3A_224 = arith.constant 16 : i32
          %mul3A_225 = arith.muli %add3A_223, %mul3A_224 : i32
          %add3A_226 = vector.broadcast %mul3A_225 : i32 to vector<16xi32>
          %add3A_227 = arith.addi %iota3A, %add3A_226 : vector<16xi32>
          %gather3A = tpu.vector_load_idx %arg18[%add3A_227, %broadcast_in_dim3A_1] : memref<1024x8xf32, #tpu.memory_space<vmem>>[vector<16xi32>, vector<16xi32>], vector<16xf32>,
          %gather3A_228 = tpu.vector_load_idx %arg18[%add3A_227, %broadcast_in_dim3A_3] : memref<1024x8xf32, #tpu.memory_space<vmem>>[vector<16xi32>, vector<16xi32>], vector<16xf32>,
          %gather3A_229 = tpu.vector_load_idx %arg18[%add3A_227, %broadcast_in_dim3A_5] : memref<1024x8xf32, #tpu.memory_space<vmem>>[vector<16xi32>, vector<16xi32>], vector<16xf32>,
          %gather3A_230 = tpu.vector_load_idx %arg18[%add3A_227, %broadcast_in_dim3A_7] : memref<1024x8xf32, #tpu.memory_space<vmem>>[vector<16xi32>, vector<16xi32>], vector<16xf32>,
          %gather3A_231 = tpu.vector_load_idx %arg18[%add3A_227, %broadcast_in_dim3A_9] : memref<1024x8xf32, #tpu.memory_space<vmem>>[vector<16xi32>, vector<16xi32>], vector<16xf32>,
          %jit3A_232 = arith.constant 8 : i32
          %div3A_233 = arith.divsi %add3A_223, %jit3A_232 : i32
          %sign3A_234 = arith.constant 0 : i32
          %sign3A_235 = arith.cmpi sgt, %add3A_223, %sign3A_234 : i32
          %sign3A_236 = arith.extui %sign3A_235 : i1 to i32
          %sign3A_237 = arith.constant 0 : i32
          %sign3A_238 = arith.cmpi slt, %add3A_223, %sign3A_237 : i32
          %sign3A_239 = arith.extui %sign3A_238 : i1 to i32
          %sign3A_240 = arith.subi %sign3A_236, %sign3A_239 : i32
          %sign3A_241 = arith.constant 0 : i32
          %sign3A_242 = arith.cmpi sgt, %jit3A_232, %sign3A_241 : i32
          %sign3A_243 = arith.extui %sign3A_242 : i1 to i32
          %sign3A_244 = arith.constant 0 : i32
          %sign3A_245 = arith.cmpi slt, %jit3A_232, %sign3A_244 : i32
          %sign3A_246 = arith.extui %sign3A_245 : i1 to i32
          %sign3A_247 = arith.subi %sign3A_243, %sign3A_246 : i32
          %ne3A_248 = arith.cmpi ne, %sign3A_240, %sign3A_247 : i32
          %rem3A_249 = arith.remsi %add3A_223, %jit3A_232 : i32
          %ne3A_250 = arith.constant 0 : i32
          %ne3A_251 = arith.cmpi ne, %rem3A_249, %ne3A_250 : i32
          %and3A_252 = arith.andi %ne3A_248, %ne3A_251 : i1
          %sub3A_253 = arith.constant 1 : i32
          %sub3A_254 = arith.subi %div3A_233, %sub3A_253 : i32
          %select_n3A_255 = arith.select %and3A_252, %sub3A_254, %div3A_233 : i32
          %jit3A_256 = arith.constant 8 : i32
          %eq3A_257 = arith.constant 0 : i32
          %eq3A_258 = arith.cmpi eq, %jit3A_256, %eq3A_257 : i32
          %jit3A_259 = arith.constant 1 : i32
          %select_n3A_260 = arith.select %eq3A_258, %jit3A_259, %jit3A_256 : i32
          %rem3A_261 = arith.remsi %add3A_223, %select_n3A_260 : i32
          %ne3A_262 = arith.constant 0 : i32
          %ne3A_263 = arith.cmpi ne, %rem3A_261, %ne3A_262 : i32
          %lt3A_264 = arith.constant 0 : i32
          %lt3A_265 = arith.cmpi slt, %rem3A_261, %lt3A_264 : i32
          %lt3A_266 = arith.constant 0 : i32
          %lt3A_267 = arith.cmpi slt, %select_n3A_260, %lt3A_266 : i32
          %ne3A_268 = arith.xori %lt3A_265, %lt3A_267 : i1
          %and3A_269 = arith.andi %ne3A_268, %ne3A_263 : i1
          %add3A_270 = arith.addi %rem3A_261, %select_n3A_260 : i32
          %select_n3A_271 = arith.select %and3A_269, %add3A_270, %rem3A_261 : i32
          %mul3A_272 = arith.constant 16 : i32
          %mul3A_273 = arith.muli %select_n3A_271, %mul3A_272 : i32
          %get3A = arith.constant 0 : i32
          %get3A_274 = arith.index_cast %select_n3A_255 : i32 to index
          %get3A_275 = arith.index_cast %get3A : i32 to index
          %get3A_276 = arith.index_cast %mul3A_273 : i32 to index
          %get3A_277 = tpu.vector_load %arg14[%get3A_274, %get3A_275, %get3A_276] {strides = array<i32>} : memref<8x4x128xf32, #tpu.memory_space<vmem>>, vector<16xf32>,
          %get3A_278 = arith.constant 1 : i32
          %get3A_279 = arith.index_cast %select_n3A_255 : i32 to index
          %get3A_280 = arith.index_cast %get3A_278 : i32 to index
          %get3A_281 = arith.index_cast %mul3A_273 : i32 to index
          %get3A_282 = tpu.vector_load %arg14[%get3A_279, %get3A_280, %get3A_281] {strides = array<i32>} : memref<8x4x128xf32, #tpu.memory_space<vmem>>, vector<16xf32>,
          %get3A_283 = arith.constant 2 : i32
          %get3A_284 = arith.index_cast %select_n3A_255 : i32 to index
          %get3A_285 = arith.index_cast %get3A_283 : i32 to index
          %get3A_286 = arith.index_cast %mul3A_273 : i32 to index
          %get3A_287 = tpu.vector_load %arg14[%get3A_284, %get3A_285, %get3A_286] {strides = array<i32>} : memref<8x4x128xf32, #tpu.memory_space<vmem>>, vector<16xf32>,
          %get3A_288 = arith.constant 3 : i32
          %get3A_289 = arith.index_cast %select_n3A_255 : i32 to index
          %get3A_290 = arith.index_cast %get3A_288 : i32 to index
          %get3A_291 = arith.index_cast %mul3A_273 : i32 to index
          %get3A_292 = tpu.vector_load %arg14[%get3A_289, %get3A_290, %get3A_291] {strides = array<i32>} : memref<8x4x128xf32, #tpu.memory_space<vmem>>, vector<16xf32>,
          %mul3A_293 = arith.constant 16 : i32
          %mul3A_294 = arith.muli %add3A_223, %mul3A_293 : i32
          %get3A_295 = arith.index_cast %mul3A_294 : i32 to index
          %get3A_296 = tpu.vector_load %arg16[%get3A_295] {strides = array<i32>} : memref<1024xf32, #tpu.memory_space<vmem>>, vector<16xf32>,
          %mul3A_297 = arith.mulf %gather3A, %get3A_296 : vector<16xf32>
          %mul3A_298 = arith.constant 1.600000e+01 : f32
          %mul3A_299 = vector.broadcast %mul3A_298 : f32 to vector<16xf32>
          %mul3A_300 = arith.mulf %mul3A_297, %mul3A_299 : vector<16xf32>
          %exp3A = math.exp %mul3A_300 : vector<16xf32>
          %mul3A_301 = arith.mulf %get3A_277, %gather3A_228 : vector<16xf32>
          %mul3A_302 = arith.mulf %get3A_282, %gather3A_229 : vector<16xf32>
          %sub3A_303 = arith.subf %mul3A_301, %mul3A_302 : vector<16xf32>
          %mul3A_304 = arith.mulf %get3A_287, %gather3A_230 : vector<16xf32>
          %sub3A_305 = arith.subf %sub3A_303, %mul3A_304 : vector<16xf32>
          %mul3A_306 = arith.mulf %get3A_292, %gather3A_231 : vector<16xf32>
          %sub3A_307 = arith.subf %sub3A_305, %mul3A_306 : vector<16xf32>
          %mul3A_308 = arith.mulf %get3A_277, %gather3A_229 : vector<16xf32>
          %mul3A_309 = arith.mulf %get3A_282, %gather3A_228 : vector<16xf32>
          %add3A_310 = arith.addf %mul3A_308, %mul3A_309 : vector<16xf32>
          %mul3A_311 = arith.mulf %get3A_287, %gather3A_231 : vector<16xf32>
          %add3A_312 = arith.addf %add3A_310, %mul3A_311 : vector<16xf32>
          %mul3A_313 = arith.mulf %get3A_292, %gather3A_230 : vector<16xf32>
          %sub3A_314 = arith.subf %add3A_312, %mul3A_313 : vector<16xf32>
          %mul3A_315 = arith.mulf %get3A_277, %gather3A_230 : vector<16xf32>
          %mul3A_316 = arith.mulf %get3A_282, %gather3A_231 : vector<16xf32>
          %sub3A_317 = arith.subf %mul3A_315, %mul3A_316 : vector<16xf32>
          %mul3A_318 = arith.mulf %get3A_287, %gather3A_228 : vector<16xf32>
          %add3A_319 = arith.addf %sub3A_317, %mul3A_318 : vector<16xf32>
          %mul3A_320 = arith.mulf %get3A_292, %gather3A_229 : vector<16xf32>
          %add3A_321 = arith.addf %add3A_319, %mul3A_320 : vector<16xf32>
          %mul3A_322 = arith.mulf %get3A_277, %gather3A_231 : vector<16xf32>
          %mul3A_323 = arith.mulf %get3A_282, %gather3A_230 : vector<16xf32>
          %add3A_324 = arith.addf %mul3A_322, %mul3A_323 : vector<16xf32>
          %mul3A_325 = arith.mulf %get3A_287, %gather3A_229 : vector<16xf32>
          %sub3A_326 = arith.subf %add3A_324, %mul3A_325 : vector<16xf32>
          %mul3A_327 = arith.mulf %get3A_292, %gather3A_228 : vector<16xf32>
          %add3A_328 = arith.addf %sub3A_326, %mul3A_327 : vector<16xf32>
          tpu.vector_store_idx %arg20[%add3A_227, %broadcast_in_dim3A_1], %exp3A : memref<1024x8xf32, #tpu.memory_space<vmem>>[vector<16xi32>, vector<16xi32>], vector<16xf32>,
          %mul3A_329 = arith.mulf %exp3A, %sub3A_307 : vector<16xf32>
          tpu.vector_store_idx %arg20[%add3A_227, %broadcast_in_dim3A_3], %mul3A_329 : memref<1024x8xf32, #tpu.memory_space<vmem>>[vector<16xi32>, vector<16xi32>], vector<16xf32>,
          %mul3A_330 = arith.mulf %exp3A, %sub3A_314 : vector<16xf32>
          tpu.vector_store_idx %arg20[%add3A_227, %broadcast_in_dim3A_5], %mul3A_330 : memref<1024x8xf32, #tpu.memory_space<vmem>>[vector<16xi32>, vector<16xi32>], vector<16xf32>,
          %mul3A_331 = arith.mulf %exp3A, %add3A_321 : vector<16xf32>
          tpu.vector_store_idx %arg20[%add3A_227, %broadcast_in_dim3A_7], %mul3A_331 : memref<1024x8xf32, #tpu.memory_space<vmem>>[vector<16xi32>, vector<16xi32>], vector<16xf32>,
          %mul3A_332 = arith.mulf %exp3A, %add3A_328 : vector<16xf32>
          tpu.vector_store_idx %arg20[%add3A_227, %broadcast_in_dim3A_9], %mul3A_332 : memref<1024x8xf32, #tpu.memory_space<vmem>>[vector<16xi32>, vector<16xi32>], vector<16xf32>,
        }
        %scan3A_215 = arith.constant 32 : i32
        %dma_start3A_216 = arith.constant 0 : i32
        %dma_start3A_217 = arith.constant 0 : i32
        %dma_start3A_218 = tpu.memref_slice %arg21[%dma_start3A_216, %dma_start3A_217] : memref<100352x8xf32, #tpu.memory_space<vmem_shared>> -> memref<100352x8xf32, #tpu.memory_space<vmem_shared>>
        tpu.enqueue_indirect_dma source(%arg20 : memref<1024x8xf32, #tpu.memory_space<vmem>>) target(%dma_start3A_218 : memref<100352x8xf32, #tpu.memory_space<vmem_shared>>) offsets(%arg12 : memref<1024xi32, #tpu.memory_space<vmem>>) semaphore(%arg27 : memref<!tpu.dma_semaphore, #tpu.memory_space<semaphore_mem>>) {add = true}
      } else {
      }
    }
    %scan3A_66 = arith.constant 196 : i32
    %sub3A = arith.constant 6249 : i32
    %sub3A_67 = arith.subi %sub3A, %add3A : i32
    %jit3A = arith.constant 32 : i32
    %div3A = arith.divsi %sub3A_67, %jit3A : i32
    %sign3A = arith.constant 0 : i32
    %sign3A_68 = arith.cmpi sgt, %sub3A_67, %sign3A : i32
    %sign3A_69 = arith.extui %sign3A_68 : i1 to i32
    %sign3A_70 = arith.constant 0 : i32
    %sign3A_71 = arith.cmpi slt, %sub3A_67, %sign3A_70 : i32
    %sign3A_72 = arith.extui %sign3A_71 : i1 to i32
    %sign3A_73 = arith.subi %sign3A_69, %sign3A_72 : i32
    %sign3A_74 = arith.constant 0 : i32
    %sign3A_75 = arith.cmpi sgt, %jit3A, %sign3A_74 : i32
    %sign3A_76 = arith.extui %sign3A_75 : i1 to i32
    %sign3A_77 = arith.constant 0 : i32
    %sign3A_78 = arith.cmpi slt, %jit3A, %sign3A_77 : i32
    %sign3A_79 = arith.extui %sign3A_78 : i1 to i32
    %sign3A_80 = arith.subi %sign3A_76, %sign3A_79 : i32
    %ne3A = arith.cmpi ne, %sign3A_73, %sign3A_80 : i32
    %rem3A = arith.remsi %sub3A_67, %jit3A : i32
    %ne3A_81 = arith.constant 0 : i32
    %ne3A_82 = arith.cmpi ne, %rem3A, %ne3A_81 : i32
    %and3A = arith.andi %ne3A, %ne3A_82 : i1
    %sub3A_83 = arith.constant 1 : i32
    %sub3A_84 = arith.subi %div3A, %sub3A_83 : i32
    %select_n3A = arith.select %and3A, %sub3A_84, %div3A : i32
    %jit3A_85 = arith.constant 2 : i32
    %eq3A = arith.constant 0 : i32
    %eq3A_86 = arith.cmpi eq, %jit3A_85, %eq3A : i32
    %jit3A_87 = arith.constant 1 : i32
    %select_n3A_88 = arith.select %eq3A_86, %jit3A_87, %jit3A_85 : i32
    %rem3A_89 = arith.remsi %select_n3A, %select_n3A_88 : i32
    %ne3A_90 = arith.constant 0 : i32
    %ne3A_91 = arith.cmpi ne, %rem3A_89, %ne3A_90 : i32
    %lt3A = arith.constant 0 : i32
    %lt3A_92 = arith.cmpi slt, %rem3A_89, %lt3A : i32
    %lt3A_93 = arith.constant 0 : i32
    %lt3A_94 = arith.cmpi slt, %select_n3A_88, %lt3A_93 : i32
    %ne3A_95 = arith.xori %lt3A_92, %lt3A_94 : i1
    %and3A_96 = arith.andi %ne3A_95, %ne3A_91 : i1
    %add3A_97 = arith.addi %rem3A_89, %select_n3A_88 : i32
    %select_n3A_98 = arith.select %and3A_96, %add3A_97, %rem3A_89 : i32
    %eq3A_99 = arith.constant 0 : i32
    %eq3A_100 = arith.cmpi eq, %select_n3A_98, %eq3A_99 : i32
    %convert_element_type3A = arith.extui %eq3A_100 : i1 to i32
    %cond3A = arith.constant 0 : i32
    %cond3A_101 = arith.cmpi ne, %convert_element_type3A, %cond3A : i32
    scf.if %cond3A_101 {
      %dma_wait3A_131 = arith.constant 0 : i32
      %dma_wait3A_132 = arith.constant 0 : i32
      %dma_wait3A_133 = tpu.memref_slice %arg21[%dma_wait3A_131, %dma_wait3A_132] : memref<100352x8xf32, #tpu.memory_space<vmem_shared>> -> memref<100352x8xf32, #tpu.memory_space<vmem_shared>>
      tpu.wait_indirect_dma semaphore(%arg26 : memref<!tpu.dma_semaphore, #tpu.memory_space<semaphore_mem>>) src(%arg19 : memref<1024x8xf32, #tpu.memory_space<vmem>>) dst(%dma_wait3A_133 : memref<100352x8xf32, #tpu.memory_space<vmem_shared>>)
    } else {
    }
    %jit3A_102 = arith.constant 2 : i32
    %eq3A_103 = arith.constant 0 : i32
    %eq3A_104 = arith.cmpi eq, %jit3A_102, %eq3A_103 : i32
    %jit3A_105 = arith.constant 1 : i32
    %select_n3A_106 = arith.select %eq3A_104, %jit3A_105, %jit3A_102 : i32
    %rem3A_107 = arith.remsi %select_n3A, %select_n3A_106 : i32
    %ne3A_108 = arith.constant 0 : i32
    %ne3A_109 = arith.cmpi ne, %rem3A_107, %ne3A_108 : i32
    %lt3A_110 = arith.constant 0 : i32
    %lt3A_111 = arith.cmpi slt, %rem3A_107, %lt3A_110 : i32
    %lt3A_112 = arith.constant 0 : i32
    %lt3A_113 = arith.cmpi slt, %select_n3A_106, %lt3A_112 : i32
    %ne3A_114 = arith.xori %lt3A_111, %lt3A_113 : i1
    %and3A_115 = arith.andi %ne3A_114, %ne3A_109 : i1
    %add3A_116 = arith.addi %rem3A_107, %select_n3A_106 : i32
    %select_n3A_117 = arith.select %and3A_115, %add3A_116, %rem3A_107 : i32
    %eq3A_118 = arith.constant 1 : i32
    %eq3A_119 = arith.cmpi eq, %select_n3A_117, %eq3A_118 : i32
    %convert_element_type3A_120 = arith.extui %eq3A_119 : i1 to i32
    %cond3A_121 = arith.constant 0 : i32
    %cond3A_122 = arith.cmpi ne, %convert_element_type3A_120, %cond3A_121 : i32
    scf.if %cond3A_122 {
      %dma_wait3A_131 = arith.constant 0 : i32
      %dma_wait3A_132 = arith.constant 0 : i32
      %dma_wait3A_133 = tpu.memref_slice %arg21[%dma_wait3A_131, %dma_wait3A_132] : memref<100352x8xf32, #tpu.memory_space<vmem_shared>> -> memref<100352x8xf32, #tpu.memory_space<vmem_shared>>
      tpu.wait_indirect_dma semaphore(%arg27 : memref<!tpu.dma_semaphore, #tpu.memory_space<semaphore_mem>>) src(%arg20 : memref<1024x8xf32, #tpu.memory_space<vmem>>) dst(%dma_wait3A_133 : memref<100352x8xf32, #tpu.memory_space<vmem_shared>>)
    } else {
    }
    %barrier3A_123 = arith.constant 0 : index
    tpu.barrier barrier_id(%barrier3A_123)
    %mul3A_124 = arith.constant 6272 : i32
    %mul3A_125 = arith.muli %arg1, %mul3A_124 : i32
    %mul3A_126 = arith.constant 100352 : i32
    %mul3A_127 = arith.muli %arg0, %mul3A_126 : i32
    %mul3A_128 = arith.constant 6272 : i32
    %mul3A_129 = arith.muli %arg1, %mul3A_128 : i32
    %add3A_130 = arith.addi %mul3A_127, %mul3A_129 : i32
    "tpu.region"() ({
      %run_scoped3A = tpu.sem_alloc : memref<!tpu.dma_semaphore, #tpu.memory_space<semaphore_mem>>
      %dma_start3A_131 = arith.constant 0 : i32
      %dma_start3A_132 = tpu.memref_slice %arg8[%add3A_130, %dma_start3A_131] : memref<200704x8xf32, #tpu.memory_space<hbm>> -> memref<6272x8xf32, #tpu.memory_space<hbm>>
      %dma_start3A_133 = arith.constant 0 : i32
      %dma_start3A_134 = tpu.memref_slice %arg21[%mul3A_125, %dma_start3A_133] : memref<100352x8xf32, #tpu.memory_space<vmem_shared>> -> memref<6272x8xf32, #tpu.memory_space<vmem_shared>>
      tpu.enqueue_dma source(%dma_start3A_134 : memref<6272x8xf32, #tpu.memory_space<vmem_shared>>) target(%dma_start3A_132 : memref<6272x8xf32, #tpu.memory_space<hbm>>) target_semaphore(%run_scoped3A : memref<!tpu.dma_semaphore, #tpu.memory_space<semaphore_mem>>)
      %dma_wait3A_135 = arith.constant 0 : i32
      %dma_wait3A_136 = tpu.memref_slice %arg8[%add3A_130, %dma_wait3A_135] : memref<200704x8xf32, #tpu.memory_space<hbm>> -> memref<6272x8xf32, #tpu.memory_space<hbm>>
      %dma_wait3A_137 = arith.constant 0 : i32
      %dma_wait3A_138 = tpu.memref_slice %arg21[%mul3A_125, %dma_wait3A_137] : memref<100352x8xf32, #tpu.memory_space<vmem_shared>> -> memref<6272x8xf32, #tpu.memory_space<vmem_shared>>
      tpu.wait_dma2 semaphore(%run_scoped3A : memref<!tpu.dma_semaphore, #tpu.memory_space<semaphore_mem>>) src(%dma_wait3A_138 : memref<6272x8xf32, #tpu.memory_space<vmem_shared>>) dst(%dma_wait3A_136 : memref<6272x8xf32, #tpu.memory_space<hbm>>)
      tpu.yield
    }) : () -> ()
    return
  }
}

</mosaic_0001>

<sc_bundles>
// kernel: kernel.4.cloned.1.call-start
scs
__scs_entry_jumppad:
0x0: {  	(pc) =	sbr.rel $0x88, $3  }
0x1: {  	(tag) =	ssettag $0x0;
	lr =	simm.s32 $0x1  }
0x2: {  	[smem:$0x3F9C] =	sst lr;
	_ =	strace $0xD0000000  }
0x3: {  	_ = 	snop  }
0x4: {  	_ = 	snop  }
0x5: {  	_ = 	snop  }
0x6: {  	_ = 	snop  }
0x7: {  	_ = 	snop  }
__scs_overlays_trampoline_lowered:
0x8: {  	[smem:$0x3FAB] =	sst s0  }
0x9: {  	[smem:$0x3FAC] =	sst s1  }
0xa: {  	[smem:$0x3FAD] =	sst s2  }
0xb: {  	[smem:$0x3FAE] =	sst s3  }
0xc: {  	[smem:$0x3FAF] =	sst s4  }
0xd: {  	[smem:$0x3FB0] =	sst s5  }
0xe: {  	[smem:$0x3FB1] =	sst s6  }
0xf: {  	[smem:$0x3FB2] =	sst s7  }
0x10: {  	[smem:$0x3FB3] =	sst s8  }
0x11: {  	[smem:$0x3FB4] =	sst s9;
	s0 =	simm.s32 @!p0 $0x0  }
0x12: {  	s1 =	sld [smem:$0x3F9A];
	s0 =	simm.s32 @p0 $0x1  }
0x13: {  	[smem:$0x3FB5] =	sst s0;
	s0 =	simm.s32 @!p1 $0x0  }
0x14: {  	s2 =	sld [smem:$0x3F99];
	s0 =	simm.s32 @p1 $0x1  }
0x15: {  	[smem:$0x3FB6] =	sst s0;
	s0 =	simm.s32 @!p2 $0x0  }
0x16: {  	s3 =	sld [smem:$0x3FDB];
	s0 =	simm.s32 @p2 $0x1  }
0x17: {  	s4 =	simm.s32 $0x1BF5;
	[smem:$0x3FB8] =	sst s0  }
0x18: {  	s0 =	sld [smem:$0x3F9B];
	_ =	swait.ge [sflag:s4], $0x0  }
0x19: {  	s7 =	sld [smem:$0x3F9C]  }
0x1a: {  	s8 =	sadd.s32 $0xFFFFE003, lr  }
0x1b: {  	s9 =	sadd.s32 $0xFFFFFEF7, lr;
	s5 =	simm.s32 $0xFFFFFFFF;
	p2 =	slt.u32 s8, $0xFFFFF086  }
0x1c: {  	p1 =	slt.u32 s9, $0xF7A;
	s5 =	simm.s32 @!p2 $0x0  }
0x1d: {  	s5 =	simm.s32 @p1 $0x1;
	p0 =	seq.s32 s7, s2  }
0x1e: {  	s7 =	smul.u32 @!p0 $0xF7A, s2;
	p2 =	seq.s32 @!p0 s5, $0x0  }
0x1f: {  	s9 =	smul.u32 $0xF7A, s1;
	s8 =	simm.s32 @!p0 $0x1BF5;
	p2 =	por !p2, p0  }
0x20: {  	[sflag:s8] =	ssyncset.s32 @!p0 $0xFFFFF086;
	s6 =	sadd.s32 @!p0 s3, s7;
	s7 =	simm.s32 @!p0 $0x108  }
0x21: {  	s3 =	sadd.s32 s3, s9;
	s6 =	sadd.s32 @!p0 $0x88, s6;
	s7 =	simm.s32 @p2 $0x1082  }
0x22: {  	[simem:s7], [sflag:s8] =	dma.local @!p0 [hbm:s6], $0xF7A  }
0x23: {  	s9 =	sor.u32 $0xD0000000, s2;
	s6 =	simm.s32 $0x108;
	_ =	swait.ge @!p0 [sflag:s8], $0x0  }
0x24: {  	s3 =	sadd.s32 $0x88, s3;
	s6 =	simm.s32 @!p1 $0x1082;
	[sflag:s4] =	ssyncset.s32 $0xFFFFF086  }
0x25: {  	[simem:s6], [sflag:s4] =	dma.local [hbm:s3], $0xF7A  }
0x26: {  	[smem:$0x3F9C] =	sst s1;
	(tag) =	ssettag s2;
	_ =	strace s9  }
0x27: {  	s1 =	sld [smem:$0x3FAC]  }
0x28: {  	s2 =	sld [smem:$0x3FAD]  }
0x29: {  	s4 =	sld [smem:$0x3FAF]  }
0x2a: {  	p0 =	seq.s32 s5, $0x0;
	s5 =	sld [smem:$0x3FB0]  }
0x2b: {  	s6 =	sld [smem:$0x3FB1]  }
0x2c: {  	s7 =	sld [smem:$0x3FB2]  }
0x2d: {  	s3 =	simm.s32 $0x108;
	s8 =	sld [smem:$0x3FB3]  }
0x2e: {  	s3 =	simm.s32 @!p0 $0x1082;
	s9 =	sld [smem:$0x3FB4]  }
0x2f: {  	lr =	sadd.s32 s0, s3;
	s0 =	sld [smem:$0x3FAB]  }
0x30: {  	s3 =	sld [smem:$0x3FAE]  }
0x31: {  	[smem:$0x3FB7] =	sst s10  }
0x32: {  	s10 =	sld [smem:$0x3FB5];
	_ =	sdelay $0x3  }
0x33: {  	p0 =	seq.s32 s10, $0x1;
	s10 =	sld [smem:$0x3FB7];
	_ =	sdelay $0x3  }
0x34: {  	[smem:$0x3FB7] =	sst s10  }
0x35: {  	s10 =	sld [smem:$0x3FB6];
	_ =	sdelay $0x3  }
0x36: {  	p1 =	seq.s32 s10, $0x1;
	s10 =	sld [smem:$0x3FB7];
	_ =	sdelay $0x3  }
0x37: {  	[smem:$0x3FB7] =	sst s10  }
0x38: {  	s10 =	sld [smem:$0x3FB8]  }
0x39: {  	_ = 	snop;
	(pc) =	sbr.ind lr, $3  }
0x3a: {  	_ = 	snop  }
0x3b: {  	_ = 	snop  }
0x3c: {  	p2 =	seq.s32 s10, $0x1;
	s10 =	sld [smem:$0x3FB7]  }
0x3d: {  	_ =	shalt  }
0x3e: {  	_ =	shalt  }
0x3f: {  	_ =	shalt  }
0x40: {  	_ =	shalt  }
0x41: {  	_ =	shalt  }
0x42: {  	_ =	shalt  }
0x43: {  	_ =	shalt  }
0x44: {  	_ =	shalt  }
0x45: {  	_ =	shalt  }
0x46: {  	_ =	shalt  }
0x47: {  	_ =	shalt  }
0x48: {  	_ =	shalt  }
0x49: {  	_ =	shalt  }
0x4a: {  	_ =	shalt  }
0x4b: {  	_ =	shalt  }
0x4c: {  	_ =	shalt  }
0x4d: {  	_ =	shalt  }
0x4e: {  	_ =	shalt  }
0x4f: {  	_ =	shalt  }
0x50: {  	_ =	shalt  }
0x51: {  	_ =	shalt  }
0x52: {  	_ =	shalt  }
0x53: {  	_ =	shalt  }
0x54: {  	_ =	shalt  }
0x55: {  	_ =	shalt  }
0x56: {  	_ =	shalt  }
0x57: {  	_ =	shalt  }
0x58: {  	_ =	shalt  }
0x59: {  	_ =	shalt  }
0x5a: {  	_ =	shalt  }
0x5b: {  	_ =	shalt  }
0x5c: {  	_ =	shalt  }
0x5d: {  	_ =	shalt  }
0x5e: {  	_ =	shalt  }
0x5f: {  	_ =	shalt  }
0x60: {  	_ =	shalt  }
0x61: {  	_ =	shalt  }
0x62: {  	_ =	shalt  }
0x63: {  	_ =	shalt  }
0x64: {  	_ =	shalt  }
0x65: {  	_ =	shalt  }
0x66: {  	_ =	shalt  }
0x67: {  	_ =	shalt  }
0x68: {  	_ =	shalt  }
0x69: {  	_ =	shalt  }
0x6a: {  	_ =	shalt  }
0x6b: {  	_ =	shalt  }
0x6c: {  	_ =	shalt  }
0x6d: {  	_ =	shalt  }
0x6e: {  	_ =	shalt  }
0x6f: {  	_ =	shalt  }
0x70: {  	_ =	shalt  }
0x71: {  	_ =	shalt  }
0x72: {  	_ =	shalt  }
0x73: {  	_ =	shalt  }
0x74: {  	_ =	shalt  }
0x75: {  	_ =	shalt  }
0x76: {  	_ =	shalt  }
0x77: {  	_ =	shalt  }
0x78: {  	_ =	shalt  }
0x79: {  	_ =	shalt  }
0x7a: {  	_ =	shalt  }
0x7b: {  	_ =	shalt  }
0x7c: {  	_ =	shalt  }
0x7d: {  	_ =	shalt  }
0x7e: {  	_ =	shalt  }
0x7f: {  	_ =	shalt  }
0x80: {  	_ =	shalt  }
0x81: {  	_ =	shalt  }
0x82: {  	_ =	shalt  }
0x83: {  	_ =	shalt  }
0x84: {  	_ =	shalt  }
0x85: {  	_ =	shalt  }
0x86: {  	_ =	shalt  }
0x87: {  	_ =	shalt  }
.Lfunc_end0:
.L_simem_size_0:
called_computation_lowered:
.L_overlay_start_0:
0x88: {  	s2 =	sld [smem:$0x3FD9]  }
0x89: {  	s3 =	sld [smem:$0x3FFE];
	_ =	sdelay $0x1  }
0x8a: {  	s1 =	srdreg.scid  }
0x8b: {  	s0 =	sand.u32 $0x1, s1  }
0x8c: {  	s17 =	sshll.u32 s0, $0xA;
	s2 =	sadd.s32 s3, s2  }
0x8d: {  	s2 =	sadd.s32 s2, s17  }
0x8e: {  	[smem:$0x3FC3] =	sst s2  }
0x8f: {  	_ = 	snop  }
0x90: {  	s2 =	sld [smem:$0x3FC7]  }
0x91: {  	s18 =	sld [smem:$0x3FC6];
	(tm) =	ssettm $0x1  }
0x92: {  	s4 =	sld [smem:$0x3FFB];
	_ =	sdelay $0x3  }
0x93: {  	_ =	strace s4  }
0x94: {  	s4 =	sld [smem:$0x3FFC];
	_ =	sdelay $0x3  }
0x95: {  	_ =	strace s4  }
0x96: {  	s4 =	sld [smem:$0x3FFD];
	_ =	sdelay $0x3  }
0x97: {  	_ =	strace s4  }
0x98: {  	_ =	strace $0x8FFFFFFF  }
0x99: {  	s19 =	sld [smem:$0x3FDB];
	_ =	sdelay $0x1  }
0x9a: {  	s5 =	simm.s32 $_scs_section_size  }
0x9b: {  	s6 =	simm.s32 $_size__tile_overlayer_lowered;
	s7 =	simm.s32 $_tile_overlayer_lowered  }
0x9c: {  	s22 =	simm.s32 $0x1BFF;
	s21 =	sshll.u32 s7, $0x1;
	s4 =	sadd.s32 s5, s19  }
0x9d: {  	s8 =	simm.s32 $0x0;
	s20 =	sshll.u32 s6, $0x1;
	s6 =	sadd.s32 s21, s4  }
0x9e: {  	[timem:s8], [sflag:s22] =	dma.local [hbm:s6], s20  }
0x9f: {  	_ =	swait.ge [sflag:s22], s20  }
0xa0: {  	s5 =	ssub.s32 $0x0, s20;
	[sflag:s22] =	ssyncset.done $0x0  }
0xa1: {  	[sflag:s22] =	ssyncadd.s32 s5;
	_ =	sdelay $0x1  }
0xa2: {  	s23 =	simm.s32 $0x1B8B  }
0xa3: {  	_ =	swait.ge [sflag:s23], $0x1  }
0xa4: {  	[sflag:s23] =	ssyncset.done $0x0  }
0xa5: {  	s25 =	simm.s32 $0x1B8E;
	s24 =	sld [smem:$0x3FFE];
	[sflag:s23] =	ssyncadd.s32 $0xFFFFFFFF  }
0xa6: {  	s26 =	simm.s32 $execute0_lowered;
	[smem:$0x3FD2] =	sst s25  }
0xa7: {  	s6 =	sshll.u32 s26, $0x1;
	_ =	strace $0x80000046;
	[dreg:$0x1] =	wrdreg $0xFFFFFFFF  }
0xa8: {  	s28 =	simm.s32 $_size_execute0_lowered;
	s4 =	sadd.s32 s4, s6;
	[dreg:$0x0] =	wrdreg $0x0  }
0xa9: {  	s6 =	sshll.u32 s28, $0x1;
	[dreg:$0x2] =	wrdreg s4  }
0xaa: {  	[dreg:$0x3] =	wrdreg s6  }
0xab: {  	[dreg:$0x4] =	wrdreg $0xC0  }
0xac: {  	_ =	task [dreg:s8], $0x5FFFF  }
0xad: {  	[dreg:$0x1] =	wrdreg $0xFFFFFFFF  }
0xae: {  	[dreg:$0x0] =	wrdreg $0x60  }
0xaf: {  	[dreg:$0x2] =	wrdreg s24  }
0xb0: {  	[dreg:$0x3] =	wrdreg s2  }
0xb1: {  	[dreg:$0x4] =	wrdreg s18  }
0xb2: {  	[dreg:$0x5] =	wrdreg $0xB8000  }
0xb3: {  	[dreg:$0x6] =	wrdreg $0x9  }
0xb4: {  	_ =	task.clear_ibuf [dreg:s8], $0x7FFFF;
	_ =	strace $0x90000046  }
0xb5: {  	s29 =	simm.s32 $0x9;
	_ =	strace $0x80000048  }
0xb6: {  	_ =	swait.ge [sflag:s29], $0x1  }
0xb7: {  	[sflag:s29] =	ssyncadd.s32 $0xFFFFFFFF  }
0xb8: {  	_ =	strace $0x90000048  }
0xb9: {  	_ =	sfence  }
0xba: {  	s30 =	sld [smem:$0x0];
	_ =	sdelay $0x2  }
0xbb: {  	s31 =	sshll.u32 s1, $0xD;
	s1 =	sshrl.u32 s1, $0x2  }
0xbc: {  	s3 =	sand.u32 $0x4000, s31;
	s1 =	sadd.s32 s1, s30  }
0xbd: {  	s0 =	sor.u32 s3, s0;
	s1 =	sshll.u32 s1, $0x11  }
0xbe: {  	s0 =	sor.u32 s1, s0  }
0xbf: {  	s0 =	sadd.s32 $0x8F2B, s0  }
0xc0: {  	[sflag:s0] =	ssyncadd.remote.s32 $0x1  }
0xc1: {  	_ =	sfence.sel $0xFFFF  }
0xc2: {  	[dreg:$0x0] =	wrdreg $0xFFFFFFFF;
	(pc) =	sbr.abs _section_cstart, $3  }
0xc3: {  	[dreg:$0x1] =	wrdreg $0xFFFFFFFF  }
0xc4: {  	_ =	task.clear_ibuf [dreg:s8], $0x2FFFF;
	_ =	strace $0x9FFFFFFF  }
0xc5: {  	(tm) =	ssettm $0x7FFFFFFF  }
tec
execute0_lowered:
.L_overlay_start_1:
0x0: {  	(tag) =	ssettag $0x1  }
0x1: {  	s0 =	rddreg [dreg:$0x0]  }
0x2: {  	s1 =	rddreg [dreg:$0x1]  }
0x3: {  	s2 =	rddreg [dreg:$0x2]  }
0x4: {  	s3 =	rddreg [dreg:$0x3];
	s4 =	simm.s32 $0x0  }
0x5: {  	s9 =	stileid.u32;
	s5 =	srdreg.scid;
	s29 =	simm.s32 $0x1  }
0x6: {  	s30 =	simm.s32 $0x400;
	s31 =	simm.s32 $0x3800;
	s28 =	simm.s32 $0xC00  }
0x7: {  	[smem:$0x7FF] =	sst s4;
	s6 =	sadd.s32 $0xDC800, s0;
	s7 =	sadd.s32 $0x19200, s0  }
0x8: {  	s8 =	sadd.s32 $0xA00, s0;
	s10 =	smul.u32 $0x1880, s9;
	s5 =	sand.u32 $0x1, s5  }
0x9: {  	s15 =	sadd.s32 $0x19FE00, s0;
	s12 =	smul.u32 $0xC400, s9;
	s19 =	sshll.u32 s9, $0x6  }
0xa: {  	_ =	strace $0x80000047;
	s11 =	ssub.s32 $0x2, s5;
	s13 =	sshll.u32 s5, $0x4  }
0xb: {  	[dreg:$0x5] =	wrdreg s15;
	s5 =	smul.u32 $0x18800, s5;
	s0 =	sadd.s32 s10, s0  }
0xc: {  	s16 =	sshrl.u32 s11, $0x1;
	s10 =	sor.u32 s9, s13;
	s17 =	sshrl.u32 s12, $0x3  }
0xd: {  	s14 =	sadd.s32 s12, s3;
	s12 =	sor.u32 $0x1C07, s19;
	s11 =	ssub.s32 s11, s16  }
0xe: {  	s18 =	sadd.s32 s15, s17;
	s20 =	sshll.u32 s10, $0x7;
	[dreg:$0x7] =	wrdreg s12  }
0xf: {  	s23 =	sshll.u32 s10, $0x9;
	s13 =	sshrl.u32 s14, $0x3;
	[dreg:$0x6] =	wrdreg s18  }
0x10: {  	s0 =	sadd.s32 s5, s0;
	s21 =	sadd.s32 s6, s20;
	[dreg:$0xe] =	wrdreg s13  }
0x11: {  	p0 =	sgt.u32 s10, $0x9;
	s22 =	sadd.s32 s7, s20;
	[dreg:$0x8] =	wrdreg s21  }
0x12: {  	s5 =	simm.s32 $0x4;
	s24 =	sadd.s32 s1, s23;
	[dreg:$0x9] =	wrdreg s22  }
0x13: {  	s25 =	sadd.s32 s2, s20;
	s0 =	sadd.s32 $0x1B8600, s0;
	[dreg:$0xa] =	wrdreg s24  }
.Ltmp0:
0x14: {  	s18 =	simm.s32 $0x5;
	[dreg:$0xb] =	wrdreg s25;
	(pc) =	sbr.rel .LBB2_1-.Ltmp0, $4  }
0x15: {  	s26 =	smax.u32 s11, $0x1;
	s20 =	simm.s32 $0x5;
	[dreg:$0xc] =	wrdreg s0  }
0x16: {  	s23 =	simm.s32 $0x7800;
	s11 =	simm.s32 $0x0;
	[dreg:$0xd] =	wrdreg s26  }
0x17: {  	v0 =	vlaneseq.u32;
	s18 =	simm.s32 @!p0 $0x6;
	s22 =	simm.s32 $0x7;
	s24 =	simm.s32 $0x9800  }
0x18: {  	v0 =	vmul.u32 $0x8, v0;
	s25 =	simm.s32 $0x800;
	s0 =	simm.s32 $0x3;
	s26 =	simm.s32 $0x5800  }
.LBB2_15:
0x19: {  	_ =	swait.ge [sflag:s18], $0x2000  }
0x1a: {  	[sflag:s18] =	ssyncset.done $0x0  }
0x1b: {  	[sflag:s18] =	ssyncadd.s32 $0xFFFFE000  }
0x1c: {  	[bflag:$0x0] =	sbarrier.arrive $0xFFFF  }
0x1d: {  	s12 =	rddreg [dreg:$0x7]  }
0x1e: {  	s9 =	rddreg [dreg:$0xc]  }
0x1f: {  	s13 =	rddreg [dreg:$0xe]  }
0x20: {  	[hbm:s9], [sflag:s12] =	dma.local [spmem:s13], $0x1880  }
0x21: {  	_ =	swait.ge [sflag:s22], $0x1880  }
0x22: {  	s11 =	sadd.s32 $0x1, s11;
	s21 =	rddreg [dreg:$0xd]  }
0x23: {  	p0 =	sne.s32 s11, s21  }
.Ltmp1:
0x24: {  	_ = 	snop;
	(pc) =	sbr.rel @!p0 .LBB2_16-.Ltmp1, $3  }
0x25: {  	_ =	sdelay $0x1  }
0x26: {  	[sflag:s22] =	ssyncset.done $0x0  }
0x27: {  	[sflag:s22] =	ssyncadd.s32 $0xFFFFE780  }
.LBB2_1:
0x28: {  	s9 =	rddreg [dreg:$0x6]  }
0x29: {  	[spmem:s13], [sflag:s12] =	dma.local [hbm:s9], $0x1880  }
0x2a: {  	_ =	swait.ge [sflag:s22], $0x1880  }
0x2b: {  	[sflag:s22] =	ssyncset.done $0x0  }
0x2c: {  	s13 =	rddreg [dreg:$0x5];
	[sflag:s22] =	ssyncadd.s32 $0xFFFFE780  }
0x2d: {  	[tilespmem:s23], [sflag:$0x7] =	stream.linear.gather [hbm4b:s13+s4], $0x2000, $0x38;
	[tilespmem:$0x17C00] =	vst v63  }
0x2e: {  	_ =	swait.ge [sflag:s22], $0x2000  }
0x2f: {  	[sflag:s22] =	ssyncset.done $0x0  }
0x30: {  	[sflag:s22] =	ssyncadd.s32 $0xFFFFE000  }
0x31: {  	[tilespmem:s24], [sflag:$0x7] =	stream.linear.gather [hbm4b:s13+s4], $0x2000, $0x38;
	[tilespmem:$0x17C00] =	vst v63  }
0x32: {  	_ =	swait.ge [sflag:s22], $0x2000  }
0x33: {  	[sflag:s22] =	ssyncset.done $0x0  }
0x34: {  	[sflag:s22] =	ssyncadd.s32 $0xFFFFE000  }
0x35: {  	[bflag:$0x0] =	sbarrier.arrive $0xFFFF  }
0x36: {  	s14 =	rddreg [dreg:$0x8]  }
0x37: {  	[tilespmem:s4], [sflag:$0x1] =	stream.linear.gather [hbm4b:s14+s4], $0x400, $0x38;
	[tilespmem:$0x17C00] =	vst v63  }
0x38: {  	s15 =	rddreg [dreg:$0x9]  }
0x39: {  	[tilespmem:s25], [sflag:$0x1] =	stream.linear.gather [hbm4b:s15+s4], $0x400, $0x38;
	[tilespmem:$0x17C00] =	vst v63  }
0x3a: {  	s17 =	simm.s32 $0x1000;
	s16 =	rddreg [dreg:$0xa]  }
0x3b: {  	[tilespmem:s17], [sflag:$0x1] =	stream.linear.gather [hbm4b:s16+s4], $0x1000, $0x38;
	[tilespmem:$0x17C00] =	vst v63  }
0x3c: {  	s21 =	simm.s32 $0x3000;
	s19 =	rddreg [dreg:$0xb]  }
0x3d: {  	[tilespmem:s21], [sflag:$0x1] =	stream.linear.gather [hbm4b:s19+s4], $0x400, $0x38;
	[tilespmem:$0x17C00] =	vst v63  }
0x3e: {  	_ =	swait.ge [sflag:s29], $0x400  }
0x3f: {  	[sflag:s29] =	ssyncset.done $0x0  }
0x40: {  	[sflag:s29] =	ssyncadd.s32 $0xFFFFFC00  }
0x41: {  	_ =	swait.ge [sflag:s29], $0x400  }
0x42: {  	[sflag:s29] =	ssyncset.done $0x0  }
0x43: {  	[sflag:s29] =	ssyncadd.s32 $0xFFFFFC00  }
0x44: {  	_ =	swait.ge [sflag:s29], $0x1000  }
0x45: {  	[sflag:s29] =	ssyncset.done $0x0  }
.Ltmp2:
0x46: {  	[sflag:s29] =	ssyncadd.s32 $0xFFFFF000;
	(pc) =	sbr.rel .LBB2_2-.Ltmp2, $4  }
0x47: {  	_ =	swait.ge [sflag:s29], $0x400  }
0x48: {  	[sflag:s29] =	ssyncset.done $0x0  }
0x49: {  	s13 =	simm.s32 $0x0;
	[sflag:s29] =	ssyncadd.s32 $0xFFFFFC00  }
0x4a: {  	[tilespmem:s31], [sflag:$0x3] =	stream.indirect.gather [hbm4b:s8+s30], $0x8, s4, s30, $0xb8;
	[tilespmem:$0x17C00] =	vst v63  }
.LBB2_14:
0x4b: {  	s13 =	sadd.s32 $0x1, s13  }
0x4c: {  	p0 =	sne.s32 s13, $0xC4  }
.Ltmp3:
0x4d: {  	_ = 	snop;
	(pc) =	sbr.rel @!p0 .LBB2_15-.Ltmp3, $1  }
0x4e: {  	_ =	sdelay $0x3  }
.LBB2_2:
0x4f: {  	s14 =	sshll.u32 s13, $0x5;
	s16 =	sand.u32 $0x1, s13  }
0x50: {  	s15 =	sor.u32 s10, s14;
	p0 =	seq.s32 s16, $0x1  }
0x51: {  	p1 =	sgt.u32 @!p0 s15, $0x1869  }
0x52: {  	p1 =	por p0, p1  }
.Ltmp4:
0x53: {  	_ = 	snop;
	(pc) =	sbr.rel @p1 .LBB2_8-.Ltmp4, $2  }
0x54: {  	_ =	sdelay $0x2  }
0x55: {  	s14 =	sadd.s32 $0x20, s15  }
0x56: {  	p2 =	seq.s32 s13, $0x0  }
0x57: {  	s16 =	simm.s32 @!p2 $0x6  }
0x58: {  	_ =	swait.ge @!p2 [sflag:s16], $0x2000  }
0x59: {  	p1 =	sgt.u32 s15, $0x1849;
	[sflag:s16] =	ssyncset.done @!p2 $0x0  }
0x5a: {  	[sflag:s16] =	ssyncadd.s32 @!p2 $0xFFFFE000;
	s16 =	sshll.u32 @!p1 s14, $0x7  }
0x5b: {  	s19 =	simm.s32 @!p1 $0x0;
	s12 =	simm.s32 @!p1 $0x400;
	s17 =	sadd.s32 @!p1 s6, s16  }
0x5c: {  	[tilespmem:s12], [sflag:$0x2] =	stream.linear.gather @!p1 [hbm4b:s17+s19], $0x400, $0x38;
	[tilespmem:$0x17C00] =	vst v63  }
0x5d: {  	s12 =	sadd.s32 @!p1 s7, s16;
	s17 =	simm.s32 @!p1 $0xC00  }
0x5e: {  	[tilespmem:s17], [sflag:$0x2] =	stream.linear.gather @!p1 [hbm4b:s12+s19], $0x400, $0x38;
	[tilespmem:$0x17C00] =	vst v63  }
0x5f: {  	s21 =	simm.s32 $0x0;
	s12 =	sshll.u32 @!p1 s14, $0x9  }
0x60: {  	s9 =	simm.s32 @!p1 $0x2000;
	v1 =	vmov s21;
	s12 =	sadd.s32 @!p1 s1, s12  }
0x61: {  	v1 =	vshll.u32 v1, $0x3;
	[tilespmem:s9], [sflag:$0x2] =	stream.linear.gather @!p1 [hbm4b:s12+s19], $0x1000, $0x38;
	[tilespmem:$0x17C00] =	vst v63  }
0x62: {  	v3 =	vor.u32 v0, v1;
	s9 =	sadd.s32 @!p1 s2, s16;
	s12 =	simm.s32 @!p1 $0x3400  }
0x63: {  	[tilespmem:s12], [sflag:$0x2] =	stream.linear.gather @!p1 [hbm4b:s9+s19], $0x400, $0x38;
	[tilespmem:$0x17C00] =	vst v63  }
0x64: {  	_ =	swait.ge [sflag:s0], $0x2000  }
0x65: {  	v1 =	vor.u32 $0x4, v3;
	[sflag:s0] =	ssyncset.done $0x0  }
0x66: {  	v2 =	vor.u32 $0x3, v3;
	[sflag:s0] =	ssyncadd.s32 $0xFFFFE000  }
0x67: {  	s16 =	sand.u32 $0x70, s21;
	s19 =	sand.u32 $0x600, s21;
	s21 =	simm.s32 $0x0;
	v6 =	vld.idx.msk [tilespmem:v3+s31+$0x0], $0xffff  }
0x68: {  	s9 =	sor.u32 s16, s19;
	v8 =	vld [tilespmem:s21+$0x3000]  }
0x69: {  	v14 =	vld [tilespmem:s9+$0x1100]  }
0x6a: {  	v4 =	vor.u32 $0x2, v3;
	v15 =	vld.idx.msk [tilespmem:v1+s31+$0x0], $0xffff  }
0x6b: {  	v5 =	vor.u32 $0x1, v3;
	v7 =	vld.idx.msk [tilespmem:v2+s31+$0x0], $0xffff  }
0x6c: {  	v16 =	vld [tilespmem:s9+$0x1080];
	_ =	sdelay $0x1  }
0x6d: {  	v18 =	vld [tilespmem:s9+$0x1000];
	v6 =	vmul.f32 v8, v6  }
0x6e: {  	v19 =	vld.idx.msk [tilespmem:v4+s31+$0x0], $0xffff  }
0x6f: {  	v8 =	vld.idx.msk [tilespmem:v5+s31+$0x0], $0xffff;
	v6 =	vmul.f32 $1.600000000e+01, v6  }
0x70: {  	v9 =	vmul.f32 v14, v15;
	v11 =	vmul.f32 v16, v7  }
0x71: {  	v10 =	vld [tilespmem:s9+$0x1180];
	v12 =	vmul.f32 v14, v7;
	v6 =	vmul.f32 $1.442695020e+00, v6  }
0x72: {  	v17 =	vmul.f32 v18, v7;
	v20 =	vmul.f32 v16, v15  }
0x73: {  	s16 =	simm.s32 $0x10;
	v21 =	vmul.f32 v16, v19;
	(erf) = vpow2.f32 v6  }
0x74: {  	v13 =	vmov s16;
	v23 =	vmul.f32 v18, v19;
	v22 =	vmul.f32 v18, v8  }
0x75: {  	v20 =	vsub.f32 v17, v20;
	v16 =	vmul.f32 v16, v8;
	v24 =	vmul.f32 v14, v8  }
0x76: {  	v18 =	vmul.f32 v18, v15;
	v15 =	vmul.f32 v10, v15;
	v6 =	vshll.u32 v13, $0x3  }
0x77: {  	v13 =	vmul.f32 v14, v19;
	v14 =	vmul.f32 v10, v19;
	v17 =	vsub.f32 v22, v21  }
0x78: {  	s17 =	simm.s32 $0x40;
	s19 =	simm.s32 $0x80;
	v6 =	vor.u32 v0, v6;
	v19 =	vadd.f32 v16, v23;
	v16 =	vadd.f32 v24, v20  }
.LBB2_4:
0x79: {  	p2 =	sne.s32 s19, $0x7C0;
	v12 =	vsub.f32 v17, v12;
	v7 =	vmul.f32 v10, v7;
	v11 =	vadd.f32 v11, v18;
	s9 =	smov.u32 s19;
	s19 =	sadd.s32 $0x40, s19  }
0x7a: {  	v8 =	vmul.f32 v10, v8;
	v17 =	vadd.f32 v9, v19;
	v14 =	vadd.f32 v14, v16  }
0x7b: {  	v10 =	vor.u32 $0x3, v6;
	v12 =	vsub.f32 v12, v15;
	v11 =	vsub.f32 v11, v13  }
0x7c: {  	v13 =	vor.u32 $0x1, v6;
	v15 =	vor.u32 $0x4, v6;
	v7 =	vsub.f32 v17, v7;
	v9 =	vpop (erf)  }
0x7d: {  	v16 =	vor.u32 $0x2, v6;
	[tilespmem:v3+s23+$0x0] =	vst.idx.msk $0xffff, v9;
	v12 =	vmul.f32 v9, v12;
	v14 =	vmul.f32 v9, v14  }
0x7e: {  	v8 =	vadd.f32 v8, v11;
	v3 =	vmov v6;
	v7 =	vmul.f32 v9, v7  }
0x7f: {  	[tilespmem:v5+s23+$0x0] =	vst.idx.msk $0xffff, v12;
	v5 =	vmov v13  }
0x80: {  	v6 =	vmul.f32 v9, v8;
	[tilespmem:v4+s23+$0x0] =	vst.idx.msk $0xffff, v7;
	v4 =	vmov v16  }
0x81: {  	[tilespmem:v2+s23+$0x0] =	vst.idx.msk $0xffff, v14;
	v2 =	vmov v10  }
0x82: {  	[tilespmem:v1+s23+$0x0] =	vst.idx.msk $0xffff, v6;
	v1 =	vmov v15  }
0x83: {  	s12 =	sand.u32 $0x70, s16;
	s21 =	sand.u32 $0x600, s17;
	s17 =	sshra.s32 s17, $0x2;
	v6 =	vld.idx.msk [tilespmem:v3+s31+$0x0], $0xffff  }
0x84: {  	s12 =	sor.u32 s12, s21;
	v8 =	vld [tilespmem:s17+$0x3000];
	s17 =	smov.u32 s9  }
0x85: {  	v14 =	vld [tilespmem:s12+$0x1100]  }
0x86: {  	v15 =	vld.idx.msk [tilespmem:v15+s31+$0x0], $0xffff  }
0x87: {  	v7 =	vld.idx.msk [tilespmem:v10+s31+$0x0], $0xffff  }
0x88: {  	v16 =	vld [tilespmem:s12+$0x1080]  }
0x89: {  	v18 =	vld [tilespmem:s12+$0x1000];
	v6 =	vmul.f32 v8, v6  }
0x8a: {  	v19 =	vld.idx.msk [tilespmem:v4+s31+$0x0], $0xffff  }
0x8b: {  	v8 =	vld.idx.msk [tilespmem:v13+s31+$0x0], $0xffff;
	v6 =	vmul.f32 $1.600000000e+01, v6  }
0x8c: {  	v9 =	vmul.f32 v14, v15  }
0x8d: {  	v10 =	vld [tilespmem:s12+$0x1180];
	v6 =	vmul.f32 $1.442695020e+00, v6;
	v11 =	vmul.f32 v16, v7  }
0x8e: {  	s16 =	sadd.s32 $0x10, s16;
	v12 =	vmul.f32 v14, v7;
	v17 =	vmul.f32 v18, v7  }
0x8f: {  	v13 =	vmov s16;
	v20 =	vmul.f32 v16, v15;
	(erf) = vpow2.f32 v6  }
.Ltmp5:
0x90: {  	v6 =	vshll.u32 v13, $0x3;
	v21 =	vmul.f32 v16, v19;
	v13 =	vmul.f32 v14, v19;
	(pc) =	sbr.rel @p2 .LBB2_4-.Ltmp5, $4  }
0x91: {  	v23 =	vmul.f32 v18, v19;
	v6 =	vor.u32 v0, v6;
	v22 =	vmul.f32 v18, v8  }
0x92: {  	v16 =	vmul.f32 v16, v8;
	v20 =	vsub.f32 v17, v20;
	v24 =	vmul.f32 v14, v8  }
0x93: {  	v18 =	vmul.f32 v18, v15;
	v17 =	vsub.f32 v22, v21;
	v14 =	vmul.f32 v10, v19  }
0x94: {  	v15 =	vmul.f32 v10, v15;
	v19 =	vadd.f32 v16, v23;
	v16 =	vadd.f32 v24, v20  }
0x95: {  	_ = 	snop  }
0x96: {  	v9 =	vadd.f32 v9, v19  }
0x97: {  	v12 =	vsub.f32 v17, v12  }
0x98: {  	v7 =	vmul.f32 v10, v7;
	v11 =	vadd.f32 v11, v18  }
0x99: {  	v12 =	vsub.f32 v12, v15  }
0x9a: {  	v8 =	vmul.f32 v10, v8;
	v10 =	vsub.f32 v11, v13;
	v7 =	vsub.f32 v9, v7;
	v9 =	vpop (erf)  }
0x9b: {  	v11 =	vadd.f32 v14, v16;
	v12 =	vmul.f32 v9, v12  }
0x9c: {  	[tilespmem:v3+s23+$0x0] =	vst.idx.msk $0xffff, v9;
	v3 =	vadd.f32 v8, v10;
	v7 =	vmul.f32 v9, v7  }
0x9d: {  	v8 =	vmul.f32 v9, v11;
	[tilespmem:v5+s23+$0x0] =	vst.idx.msk $0xffff, v12  }
0x9e: {  	v3 =	vmul.f32 v9, v3;
	[tilespmem:v4+s23+$0x0] =	vst.idx.msk $0xffff, v7  }
0x9f: {  	[tilespmem:v2+s23+$0x0] =	vst.idx.msk $0xffff, v8  }
0xa0: {  	v5 =	vor.u32 $0x2, v6;
	[tilespmem:v1+s23+$0x0] =	vst.idx.msk $0xffff, v3  }
0xa1: {  	s9 =	sshra.s32 s17, $0x2;
	v2 =	vor.u32 $0x4, v6;
	v3 =	vld.idx.msk [tilespmem:v6+s31+$0x0], $0xffff  }
0xa2: {  	s12 =	sand.u32 $0x70, s16;
	s21 =	sand.u32 $0x600, s17;
	v8 =	vor.u32 $0x1, v6;
	v4 =	vld [tilespmem:s9+$0x3000]  }
0xa3: {  	s12 =	sor.u32 s12, s21;
	v1 =	vor.u32 $0x3, v6  }
0xa4: {  	v11 =	vld [tilespmem:s12+$0x1080]  }
0xa5: {  	v12 =	vld.idx.msk [tilespmem:v5+s31+$0x0], $0xffff  }
0xa6: {  	v9 =	vld.idx.msk [tilespmem:v2+s31+$0x0], $0xffff  }
0xa7: {  	v13 =	vld.idx.msk [tilespmem:v8+s31+$0x0], $0xffff;
	v3 =	vmul.f32 v4, v3  }
0xa8: {  	v10 =	vld.idx.msk [tilespmem:v1+s31+$0x0], $0xffff  }
0xa9: {  	v4 =	vld [tilespmem:s12+$0x1000];
	v3 =	vmul.f32 $1.600000000e+01, v3;
	_ =	sdelay $0x1  }
0xaa: {  	v7 =	vld [tilespmem:s12+$0x1100];
	v3 =	vmul.f32 $1.442695020e+00, v3  }
0xab: {  	v18 =	vmul.f32 v11, v12;
	v17 =	vmul.f32 v11, v9  }
0xac: {  	v15 =	vmul.f32 v11, v10;
	(erf) = vpow2.f32 v3  }
0xad: {  	v11 =	vmul.f32 v11, v13;
	v20 =	vmul.f32 v4, v12;
	v3 =	vld [tilespmem:s12+$0x1180]  }
0xae: {  	v19 =	vmul.f32 v4, v13  }
0xaf: {  	v22 =	vmul.f32 v7, v12;
	v14 =	vmul.f32 v7, v9;
	v11 =	vadd.f32 v11, v20  }
0xb0: {  	v21 =	vmul.f32 v7, v10;
	v16 =	vmul.f32 v4, v10;
	v18 =	vsub.f32 v19, v18  }
0xb1: {  	v7 =	vmul.f32 v7, v13;
	v4 =	vmul.f32 v4, v9;
	v11 =	vadd.f32 v14, v11  }
0xb2: {  	v16 =	vsub.f32 v16, v17;
	v17 =	vsub.f32 v18, v21;
	v9 =	vmul.f32 v3, v9  }
0xb3: {  	v4 =	vadd.f32 v15, v4;
	v10 =	vmul.f32 v3, v10  }
0xb4: {  	v7 =	vadd.f32 v7, v16;
	v12 =	vmul.f32 v3, v12;
	v9 =	vsub.f32 v17, v9  }
0xb5: {  	v4 =	vsub.f32 v4, v22;
	v3 =	vmul.f32 v3, v13;
	v10 =	vsub.f32 v11, v10;
	v11 =	vpop (erf)  }
0xb6: {  	v7 =	vadd.f32 v12, v7;
	v9 =	vmul.f32 v11, v9  }
0xb7: {  	v3 =	vadd.f32 v3, v4;
	[tilespmem:v6+s23+$0x0] =	vst.idx.msk $0xffff, v11;
	v4 =	vmul.f32 v11, v10  }
0xb8: {  	v6 =	vmul.f32 v11, v7;
	[tilespmem:v8+s23+$0x0] =	vst.idx.msk $0xffff, v9  }
0xb9: {  	v3 =	vmul.f32 v11, v3;
	[tilespmem:v5+s23+$0x0] =	vst.idx.msk $0xffff, v4  }
0xba: {  	[tilespmem:v1+s23+$0x0] =	vst.idx.msk $0xffff, v6  }
0xbb: {  	s9 =	simm.s32 @!p1 $0x2;
	[tilespmem:v2+s23+$0x0] =	vst.idx.msk $0xffff, v3  }
0xbc: {  	_ =	swait.ge @!p1 [sflag:s9], $0x400  }
0xbd: {  	[sflag:s9] =	ssyncset.done @!p1 $0x0  }
0xbe: {  	[sflag:s9] =	ssyncadd.s32 @!p1 $0xFFFFFC00  }
0xbf: {  	_ =	swait.ge @!p1 [sflag:s9], $0x400  }
0xc0: {  	[sflag:s9] =	ssyncset.done @!p1 $0x0  }
0xc1: {  	s16 =	simm.s32 $0x200;
	[sflag:s9] =	ssyncadd.s32 @!p1 $0xFFFFFC00  }
0xc2: {  	v1 =	vmov s16;
	_ =	swait.ge @!p1 [sflag:s9], $0x1000  }
0xc3: {  	v1 =	vshll.u32 v1, $0x3;
	[sflag:s9] =	ssyncset.done @!p1 $0x0  }
0xc4: {  	v2 =	vor.u32 v0, v1;
	[sflag:s9] =	ssyncadd.s32 @!p1 $0xFFFFF000  }
0xc5: {  	_ =	swait.ge @!p1 [sflag:s9], $0x400  }
0xc6: {  	v1 =	vor.u32 $0x4, v2;
	[sflag:s9] =	ssyncset.done @!p1 $0x0  }
0xc7: {  	s12 =	simm.s32 @!p1 $0x5800;
	v5 =	vor.u32 $0x3, v2;
	[sflag:s9] =	ssyncadd.s32 @!p1 $0xFFFFFC00;
	s9 =	simm.s32 @!p1 $0x400  }
0xc8: {  	[tilespmem:s12], [sflag:$0x4] =	stream.indirect.gather @!p1 [hbm4b:s8+s9], $0x8, s9, s9, $0xb8;
	[tilespmem:$0x17C00] =	vst v63  }
0xc9: {  	s19 =	simm.s32 $0x200;
	v6 =	vld.idx.msk [tilespmem:v2+s31+$0x0], $0xffff  }
0xca: {  	s17 =	simm.s32 $0x0;
	s16 =	simm.s32 $0x800;
	v7 =	vld [tilespmem:s19+$0x3000]  }
0xcb: {  	s21 =	sand.u32 $0xE00, s16;
	s9 =	sand.u32 $0x70, s17;
	v8 =	vld.idx.msk [tilespmem:v1+s31+$0x0], $0xffff  }
0xcc: {  	v4 =	vor.u32 $0x1, v2;
	s9 =	sor.u32 s9, s21;
	v9 =	vld.idx.msk [tilespmem:v5+s31+$0x0], $0xffff  }
0xcd: {  	v3 =	vor.u32 $0x2, v2;
	v14 =	vld [tilespmem:s9+$0x1100]  }
0xce: {  	v12 =	vld [tilespmem:s9+$0x1000]  }
0xcf: {  	v16 =	vld [tilespmem:s9+$0x1080]  }
0xd0: {  	v6 =	vmul.f32 v7, v6  }
0xd1: {  	v10 =	vld.idx.msk [tilespmem:v4+s31+$0x0], $0xffff  }
0xd2: {  	v7 =	vld.idx.msk [tilespmem:v3+s31+$0x0], $0xffff;
	v6 =	vmul.f32 $1.600000000e+01, v6  }
0xd3: {  	s17 =	simm.s32 $0x210;
	v13 =	vmul.f32 v12, v8;
	v11 =	vmul.f32 v14, v8  }
0xd4: {  	v15 =	vmov s17;
	v18 =	vmul.f32 v16, v9;
	v6 =	vmul.f32 $1.442695020e+00, v6  }
0xd5: {  	v15 =	vshll.u32 v15, $0x3;
	v17 =	vmul.f32 v16, v8;
	v20 =	vmul.f32 v12, v9  }
0xd6: {  	v21 =	vmul.f32 v12, v10;
	v13 =	vadd.f32 v18, v13;
	(erf) = vpow2.f32 v6  }
0xd7: {  	v19 =	vmul.f32 v16, v7;
	v6 =	vor.u32 v0, v15;
	v15 =	vmul.f32 v12, v7;
	v12 =	vld [tilespmem:s9+$0x1180]  }
0xd8: {  	v18 =	vmul.f32 v16, v10;
	v16 =	vsub.f32 v20, v17;
	v17 =	vmul.f32 v14, v10  }
0xd9: {  	s19 =	simm.s32 $0x220;
	v20 =	vmul.f32 v14, v9;
	v14 =	vmul.f32 v14, v7;
	v19 =	vsub.f32 v21, v19  }
.LBB2_6:
0xda: {  	p1 =	sne.s32 s19, $0x3F0  }
0xdb: {  	v15 =	vadd.f32 v18, v15;
	v16 =	vadd.f32 v17, v16;
	s16 =	sadd.s32 $0x40, s16;
	s9 =	smov.u32 s19;
	s19 =	sadd.s32 $0x10, s19  }
0xdc: {  	v17 =	vsub.f32 v19, v20;
	v8 =	vmul.f32 v12, v8;
	v10 =	vmul.f32 v12, v10  }
0xdd: {  	v9 =	vmul.f32 v12, v9;
	v13 =	vsub.f32 v13, v14;
	v18 =	vadd.f32 v11, v15  }
0xde: {  	v14 =	vor.u32 $0x4, v6;
	v7 =	vmul.f32 v12, v7;
	v8 =	vsub.f32 v17, v8  }
0xdf: {  	v12 =	vor.u32 $0x1, v6;
	v15 =	vor.u32 $0x2, v6;
	v9 =	vsub.f32 v18, v9;
	v11 =	vpop (erf)  }
0xe0: {  	v7 =	vadd.f32 v7, v16;
	[tilespmem:v2+s23+$0x0] =	vst.idx.msk $0xffff, v11;
	v8 =	vmul.f32 v11, v8;
	v2 =	vmov v6  }
0xe1: {  	v6 =	vadd.f32 v10, v13;
	v9 =	vmul.f32 v11, v9  }
0xe2: {  	v7 =	vmul.f32 v11, v7;
	[tilespmem:v4+s23+$0x0] =	vst.idx.msk $0xffff, v8;
	v4 =	vmov v12  }
0xe3: {  	v6 =	vmul.f32 v11, v6;
	[tilespmem:v3+s23+$0x0] =	vst.idx.msk $0xffff, v9;
	v3 =	vmov v15  }
0xe4: {  	[tilespmem:v5+s23+$0x0] =	vst.idx.msk $0xffff, v7  }
0xe5: {  	s12 =	sadd.s32 $0xFFFFFE00, s17;
	s17 =	smov.u32 s9;
	[tilespmem:v1+s23+$0x0] =	vst.idx.msk $0xffff, v6;
	v1 =	vmov v14  }
0xe6: {  	s9 =	sand.u32 $0x70, s12;
	s12 =	sand.u32 $0xE00, s16;
	s21 =	sshra.s32 s16, $0x2;
	v6 =	vld.idx.msk [tilespmem:v2+s31+$0x0], $0xffff  }
0xe7: {  	s9 =	sor.u32 s9, s12;
	v5 =	vor.u32 $0x3, v2;
	v7 =	vld [tilespmem:s21+$0x3000]  }
0xe8: {  	v14 =	vld [tilespmem:s9+$0x1100]  }
0xe9: {  	v16 =	vld [tilespmem:s9+$0x1080]  }
0xea: {  	v8 =	vld.idx.msk [tilespmem:v1+s31+$0x0], $0xffff  }
0xeb: {  	v13 =	vld [tilespmem:s9+$0x1000]  }
0xec: {  	v9 =	vld.idx.msk [tilespmem:v5+s31+$0x0], $0xffff;
	v6 =	vmul.f32 v7, v6  }
0xed: {  	v7 =	vld.idx.msk [tilespmem:v15+s31+$0x0], $0xffff  }
0xee: {  	v10 =	vld.idx.msk [tilespmem:v12+s31+$0x0], $0xffff;
	v6 =	vmul.f32 $1.600000000e+01, v6;
	_ =	sdelay $0x1  }
0xef: {  	v6 =	vmul.f32 $1.442695020e+00, v6;
	v17 =	vmul.f32 v13, v8  }
0xf0: {  	v12 =	vmov s17;
	v11 =	vmul.f32 v14, v8;
	v19 =	vmul.f32 v16, v8  }
.Ltmp6:
0xf1: {  	v12 =	vshll.u32 v12, $0x3;
	v18 =	vmul.f32 v16, v9;
	(erf) = vpow2.f32 v6;
	(pc) =	sbr.rel @p1 .LBB2_6-.Ltmp6, $4  }
0xf2: {  	v21 =	vmul.f32 v13, v9;
	v6 =	vor.u32 v0, v12;
	v20 =	vmul.f32 v16, v7;
	v12 =	vld [tilespmem:s9+$0x1180]  }
0xf3: {  	v15 =	vmul.f32 v13, v7;
	v22 =	vmul.f32 v13, v10;
	v13 =	vadd.f32 v18, v17  }
0xf4: {  	v18 =	vmul.f32 v16, v10;
	v16 =	vsub.f32 v21, v19;
	v17 =	vmul.f32 v14, v10  }
0xf5: {  	v19 =	vsub.f32 v22, v20;
	v20 =	vmul.f32 v14, v9;
	v14 =	vmul.f32 v14, v7  }
0xf6: {  	v15 =	vadd.f32 v18, v15  }
0xf7: {  	v40 =	vsub.f32 v19, v20;
	v8 =	vmul.f32 v12, v8  }
0xf8: {  	v9 =	vmul.f32 v12, v9;
	v11 =	vadd.f32 v11, v15  }
0xf9: {  	v41 =	vadd.f32 v17, v16;
	v7 =	vmul.f32 v12, v7;
	v8 =	vsub.f32 v40, v8  }
0xfa: {  	v10 =	vmul.f32 v12, v10;
	v42 =	vsub.f32 v13, v14;
	v9 =	vsub.f32 v11, v9;
	v43 =	vpop (erf)  }
0xfb: {  	v7 =	vadd.f32 v7, v41;
	v8 =	vmul.f32 v43, v8  }
0xfc: {  	[tilespmem:v2+s23+$0x0] =	vst.idx.msk $0xffff, v43;
	v2 =	vadd.f32 v10, v42;
	v9 =	vmul.f32 v43, v9  }
0xfd: {  	v44 =	vmul.f32 v43, v7;
	[tilespmem:v4+s23+$0x0] =	vst.idx.msk $0xffff, v8  }
0xfe: {  	v2 =	vmul.f32 v43, v2;
	[tilespmem:v3+s23+$0x0] =	vst.idx.msk $0xffff, v9  }
0xff: {  	[tilespmem:v5+s23+$0x0] =	vst.idx.msk $0xffff, v44  }
0x100: {  	s9 =	sadd.s32 $0x40, s16;
	[tilespmem:v1+s23+$0x0] =	vst.idx.msk $0xffff, v2  }
0x101: {  	s12 =	sshra.s32 s9, $0x2;
	v2 =	vld.idx.msk [tilespmem:v6+s31+$0x0], $0xffff  }
0x102: {  	s19 =	sadd.s32 $0xFFFFFE00, s17;
	v46 =	vor.u32 $0x2, v6;
	v3 =	vld [tilespmem:s12+$0x3000]  }
0x103: {  	v47 =	vor.u32 $0x1, v6;
	s21 =	sand.u32 $0x70, s19;
	s9 =	sand.u32 $0xE00, s9  }
0x104: {  	s9 =	sor.u32 s21, s9  }
0x105: {  	v1 =	vor.u32 $0x4, v6;
	v8 =	vld [tilespmem:s9+$0x1080]  }
0x106: {  	v45 =	vor.u32 $0x3, v6;
	v48 =	vld [tilespmem:s9+$0x1000]  }
0x107: {  	v49 =	vld.idx.msk [tilespmem:v46+s31+$0x0], $0xffff;
	v2 =	vmul.f32 v3, v2  }
0x108: {  	v50 =	vld.idx.msk [tilespmem:v47+s31+$0x0], $0xffff  }
0x109: {  	v51 =	vld [tilespmem:s9+$0x1100];
	v2 =	vmul.f32 $1.600000000e+01, v2  }
0x10a: {  	v9 =	vld.idx.msk [tilespmem:v1+s31+$0x0], $0xffff  }
0x10b: {  	v3 =	vld.idx.msk [tilespmem:v45+s31+$0x0], $0xffff;
	v2 =	vmul.f32 $1.442695020e+00, v2  }
0x10c: {  	v55 =	vmul.f32 v8, v49  }
0x10d: {  	v57 =	vmul.f32 v48, v50;
	(erf) = vpow2.f32 v2  }
0x10e: {  	v54 =	vld [tilespmem:s9+$0x1180];
	v10 =	vmul.f32 v48, v49;
	v61 =	vmul.f32 v51, v50  }
0x10f: {  	v13 =	vmul.f32 v51, v49;
	v53 =	vmul.f32 v8, v9  }
0x110: {  	v2 =	vmul.f32 v8, v3;
	v8 =	vmul.f32 v8, v50  }
0x111: {  	v58 =	vsub.f32 v57, v55;
	v56 =	vmul.f32 v48, v3;
	v59 =	vmul.f32 v51, v3  }
0x112: {  	v52 =	vmul.f32 v48, v9;
	v60 =	vmul.f32 v51, v9;
	v8 =	vadd.f32 v8, v10  }
0x113: {  	v9 =	vmul.f32 v54, v9;
	v15 =	vsub.f32 v56, v53;
	v14 =	vsub.f32 v58, v59  }
0x114: {  	v3 =	vmul.f32 v54, v3;
	v2 =	vadd.f32 v2, v52;
	v8 =	vadd.f32 v60, v8  }
0x115: {  	v11 =	vmul.f32 v54, v49;
	v10 =	vadd.f32 v61, v15;
	v9 =	vsub.f32 v14, v9  }
0x116: {  	v12 =	vmul.f32 v54, v50;
	v2 =	vsub.f32 v2, v13;
	v3 =	vsub.f32 v8, v3;
	v62 =	vpop (erf)  }
0x117: {  	v10 =	vadd.f32 v11, v10;
	v9 =	vmul.f32 v62, v9  }
0x118: {  	v2 =	vadd.f32 v12, v2;
	[tilespmem:v6+s23+$0x0] =	vst.idx.msk $0xffff, v62;
	v3 =	vmul.f32 v62, v3  }
0x119: {  	v63 =	vmul.f32 v62, v10;
	[tilespmem:v47+s23+$0x0] =	vst.idx.msk $0xffff, v9  }
0x11a: {  	v2 =	vmul.f32 v62, v2;
	[tilespmem:v46+s23+$0x0] =	vst.idx.msk $0xffff, v3  }
0x11b: {  	[tilespmem:v45+s23+$0x0] =	vst.idx.msk $0xffff, v63  }
0x11c: {  	[tilespmem:v1+s23+$0x0] =	vst.idx.msk $0xffff, v2  }
0x11d: {  	[spmem:s3] =	stream.indirect.scatter.add.f32 [tilespmem:s23], [sflag:$0x5], $0x8, s25, s30, $0xb8;
	[tilespmem:$0x17C00] =	vst v63  }
.LBB2_8:
0x11e: {  	p1 =	sgt.u32 s15, $0x1869  }
0x11f: {  	p0 =	por p1, !p0  }
.Ltmp7:
0x120: {  	_ = 	snop;
	(pc) =	sbr.rel @p0 .LBB2_14-.Ltmp7, $1  }
0x121: {  	_ =	sdelay $0x3  }
0x122: {  	_ =	swait.ge [sflag:s20], $0x2000;
	p0 =	sgt.u32 s15, $0x1849  }
0x123: {  	[sflag:s20] =	ssyncset.done $0x0;
	s9 =	sshll.u32 @!p0 s14, $0x7  }
0x124: {  	s15 =	simm.s32 @!p0 $0x0;
	[sflag:s20] =	ssyncadd.s32 $0xFFFFE000;
	s12 =	sadd.s32 @!p0 s6, s9  }
0x125: {  	[tilespmem:s15], [sflag:$0x1] =	stream.linear.gather @!p0 [hbm4b:s12+s15], $0x400, $0x38;
	[tilespmem:$0x17C00] =	vst v63  }
0x126: {  	s16 =	simm.s32 @!p0 $0x800;
	s12 =	sadd.s32 @!p0 s7, s9  }
0x127: {  	[tilespmem:s16], [sflag:$0x1] =	stream.linear.gather @!p0 [hbm4b:s12+s15], $0x400, $0x38;
	[tilespmem:$0x17C00] =	vst v63  }
0x128: {  	s21 =	simm.s32 $0x0;
	s12 =	sshll.u32 @!p0 s14, $0x9  }
0x129: {  	v1 =	vmov s21;
	s16 =	simm.s32 @!p0 $0x1000;
	s12 =	sadd.s32 @!p0 s1, s12  }
0x12a: {  	v1 =	vshll.u32 v1, $0x3;
	[tilespmem:s16], [sflag:$0x1] =	stream.linear.gather @!p0 [hbm4b:s12+s15], $0x1000, $0x38;
	[tilespmem:$0x17C00] =	vst v63  }
0x12b: {  	s9 =	sadd.s32 @!p0 s2, s9;
	v3 =	vor.u32 v0, v1;
	s12 =	simm.s32 @!p0 $0x3000  }
0x12c: {  	[tilespmem:s12], [sflag:$0x1] =	stream.linear.gather @!p0 [hbm4b:s9+s15], $0x400, $0x38;
	[tilespmem:$0x17C00] =	vst v63  }
0x12d: {  	_ =	swait.ge [sflag:s5], $0x2000  }
0x12e: {  	v1 =	vor.u32 $0x4, v3;
	[sflag:s5] =	ssyncset.done $0x0  }
0x12f: {  	v2 =	vor.u32 $0x3, v3;
	[sflag:s5] =	ssyncadd.s32 $0xFFFFE000  }
0x130: {  	s17 =	sand.u32 $0x70, s21;
	s19 =	sand.u32 $0x600, s21;
	s21 =	simm.s32 $0x0;
	v6 =	vld.idx.msk [tilespmem:v3+s26+$0x0], $0xffff  }
0x131: {  	s9 =	sor.u32 s17, s19;
	v8 =	vld [tilespmem:s21+$0x3400]  }
0x132: {  	v14 =	vld [tilespmem:s9+$0x2100]  }
0x133: {  	v4 =	vor.u32 $0x2, v3;
	v15 =	vld.idx.msk [tilespmem:v1+s26+$0x0], $0xffff  }
0x134: {  	v5 =	vor.u32 $0x1, v3;
	v7 =	vld.idx.msk [tilespmem:v2+s26+$0x0], $0xffff  }
0x135: {  	v16 =	vld [tilespmem:s9+$0x2080];
	_ =	sdelay $0x1  }
0x136: {  	v18 =	vld [tilespmem:s9+$0x2000];
	v6 =	vmul.f32 v8, v6  }
0x137: {  	v19 =	vld.idx.msk [tilespmem:v4+s26+$0x0], $0xffff  }
0x138: {  	v8 =	vld.idx.msk [tilespmem:v5+s26+$0x0], $0xffff;
	v6 =	vmul.f32 $1.600000000e+01, v6  }
0x139: {  	v9 =	vmul.f32 v14, v15;
	v11 =	vmul.f32 v16, v7  }
0x13a: {  	v10 =	vld [tilespmem:s9+$0x2180];
	v12 =	vmul.f32 v14, v7;
	v6 =	vmul.f32 $1.442695020e+00, v6  }
0x13b: {  	v17 =	vmul.f32 v18, v7;
	v20 =	vmul.f32 v16, v15  }
0x13c: {  	s14 =	simm.s32 $0x10;
	v21 =	vmul.f32 v16, v19;
	(erf) = vpow2.f32 v6  }
0x13d: {  	v13 =	vmov s14;
	v23 =	vmul.f32 v18, v19;
	v22 =	vmul.f32 v18, v8  }
0x13e: {  	v20 =	vsub.f32 v17, v20;
	v16 =	vmul.f32 v16, v8;
	v24 =	vmul.f32 v14, v8  }
0x13f: {  	v18 =	vmul.f32 v18, v15;
	v15 =	vmul.f32 v10, v15;
	v6 =	vshll.u32 v13, $0x3  }
0x140: {  	v13 =	vmul.f32 v14, v19;
	v14 =	vmul.f32 v10, v19;
	v17 =	vsub.f32 v22, v21  }
0x141: {  	s16 =	simm.s32 $0x80;
	s15 =	simm.s32 $0x40;
	v6 =	vor.u32 v0, v6;
	v19 =	vadd.f32 v16, v23;
	v16 =	vadd.f32 v24, v20  }
.LBB2_10:
0x142: {  	p1 =	sne.s32 s16, $0x7C0;
	v12 =	vsub.f32 v17, v12;
	v7 =	vmul.f32 v10, v7;
	v11 =	vadd.f32 v11, v18;
	s9 =	smov.u32 s16;
	s16 =	sadd.s32 $0x40, s16  }
0x143: {  	v8 =	vmul.f32 v10, v8;
	v17 =	vadd.f32 v9, v19;
	v14 =	vadd.f32 v14, v16  }
0x144: {  	v10 =	vor.u32 $0x3, v6;
	v12 =	vsub.f32 v12, v15;
	v11 =	vsub.f32 v11, v13  }
0x145: {  	v13 =	vor.u32 $0x1, v6;
	v15 =	vor.u32 $0x4, v6;
	v7 =	vsub.f32 v17, v7;
	v9 =	vpop (erf)  }
0x146: {  	v16 =	vor.u32 $0x2, v6;
	[tilespmem:v3+s24+$0x0] =	vst.idx.msk $0xffff, v9;
	v12 =	vmul.f32 v9, v12;
	v14 =	vmul.f32 v9, v14  }
0x147: {  	v8 =	vadd.f32 v8, v11;
	v3 =	vmov v6;
	v7 =	vmul.f32 v9, v7  }
0x148: {  	[tilespmem:v5+s24+$0x0] =	vst.idx.msk $0xffff, v12;
	v5 =	vmov v13  }
0x149: {  	v6 =	vmul.f32 v9, v8;
	[tilespmem:v4+s24+$0x0] =	vst.idx.msk $0xffff, v7;
	v4 =	vmov v16  }
0x14a: {  	[tilespmem:v2+s24+$0x0] =	vst.idx.msk $0xffff, v14;
	v2 =	vmov v10  }
0x14b: {  	[tilespmem:v1+s24+$0x0] =	vst.idx.msk $0xffff, v6;
	v1 =	vmov v15  }
0x14c: {  	s12 =	sand.u32 $0x70, s14;
	s17 =	sand.u32 $0x600, s15;
	s15 =	sshra.s32 s15, $0x2;
	v6 =	vld.idx.msk [tilespmem:v3+s26+$0x0], $0xffff  }
0x14d: {  	s12 =	sor.u32 s12, s17;
	v8 =	vld [tilespmem:s15+$0x3400];
	s15 =	smov.u32 s9  }
0x14e: {  	v14 =	vld [tilespmem:s12+$0x2100]  }
0x14f: {  	v15 =	vld.idx.msk [tilespmem:v15+s26+$0x0], $0xffff  }
0x150: {  	v7 =	vld.idx.msk [tilespmem:v10+s26+$0x0], $0xffff  }
0x151: {  	v16 =	vld [tilespmem:s12+$0x2080]  }
0x152: {  	v18 =	vld [tilespmem:s12+$0x2000];
	v6 =	vmul.f32 v8, v6  }
0x153: {  	v19 =	vld.idx.msk [tilespmem:v4+s26+$0x0], $0xffff  }
0x154: {  	v8 =	vld.idx.msk [tilespmem:v13+s26+$0x0], $0xffff;
	v6 =	vmul.f32 $1.600000000e+01, v6  }
0x155: {  	v9 =	vmul.f32 v14, v15  }
0x156: {  	v10 =	vld [tilespmem:s12+$0x2180];
	v6 =	vmul.f32 $1.442695020e+00, v6;
	v11 =	vmul.f32 v16, v7  }
0x157: {  	s14 =	sadd.s32 $0x10, s14;
	v12 =	vmul.f32 v14, v7;
	v17 =	vmul.f32 v18, v7  }
0x158: {  	v13 =	vmov s14;
	v20 =	vmul.f32 v16, v15;
	(erf) = vpow2.f32 v6  }
.Ltmp8:
0x159: {  	v6 =	vshll.u32 v13, $0x3;
	v21 =	vmul.f32 v16, v19;
	v13 =	vmul.f32 v14, v19;
	(pc) =	sbr.rel @p1 .LBB2_10-.Ltmp8, $4  }
0x15a: {  	v23 =	vmul.f32 v18, v19;
	v6 =	vor.u32 v0, v6;
	v22 =	vmul.f32 v18, v8  }
0x15b: {  	v16 =	vmul.f32 v16, v8;
	v20 =	vsub.f32 v17, v20;
	v24 =	vmul.f32 v14, v8  }
0x15c: {  	v18 =	vmul.f32 v18, v15;
	v17 =	vsub.f32 v22, v21;
	v14 =	vmul.f32 v10, v19  }
0x15d: {  	v15 =	vmul.f32 v10, v15;
	v19 =	vadd.f32 v16, v23;
	v16 =	vadd.f32 v24, v20  }
0x15e: {  	_ = 	snop  }
0x15f: {  	v9 =	vadd.f32 v9, v19  }
0x160: {  	v12 =	vsub.f32 v17, v12  }
0x161: {  	v7 =	vmul.f32 v10, v7;
	v11 =	vadd.f32 v11, v18  }
0x162: {  	v12 =	vsub.f32 v12, v15  }
0x163: {  	v8 =	vmul.f32 v10, v8;
	v10 =	vsub.f32 v11, v13;
	v7 =	vsub.f32 v9, v7;
	v9 =	vpop (erf)  }
0x164: {  	v11 =	vadd.f32 v14, v16;
	v12 =	vmul.f32 v9, v12  }
0x165: {  	[tilespmem:v3+s24+$0x0] =	vst.idx.msk $0xffff, v9;
	v3 =	vadd.f32 v8, v10;
	v7 =	vmul.f32 v9, v7  }
0x166: {  	v8 =	vmul.f32 v9, v11;
	[tilespmem:v5+s24+$0x0] =	vst.idx.msk $0xffff, v12  }
0x167: {  	v3 =	vmul.f32 v9, v3;
	[tilespmem:v4+s24+$0x0] =	vst.idx.msk $0xffff, v7  }
0x168: {  	[tilespmem:v2+s24+$0x0] =	vst.idx.msk $0xffff, v8  }
0x169: {  	v5 =	vor.u32 $0x2, v6;
	[tilespmem:v1+s24+$0x0] =	vst.idx.msk $0xffff, v3  }
0x16a: {  	s9 =	sshra.s32 s15, $0x2;
	v2 =	vor.u32 $0x4, v6;
	v3 =	vld.idx.msk [tilespmem:v6+s26+$0x0], $0xffff  }
0x16b: {  	s12 =	sand.u32 $0x70, s14;
	s21 =	sand.u32 $0x600, s15;
	v8 =	vor.u32 $0x1, v6;
	v4 =	vld [tilespmem:s9+$0x3400]  }
0x16c: {  	s15 =	sor.u32 s12, s21;
	v1 =	vor.u32 $0x3, v6  }
0x16d: {  	v11 =	vld [tilespmem:s15+$0x2080]  }
0x16e: {  	v12 =	vld.idx.msk [tilespmem:v5+s26+$0x0], $0xffff  }
0x16f: {  	v9 =	vld.idx.msk [tilespmem:v2+s26+$0x0], $0xffff  }
0x170: {  	v13 =	vld.idx.msk [tilespmem:v8+s26+$0x0], $0xffff;
	v3 =	vmul.f32 v4, v3  }
0x171: {  	v10 =	vld.idx.msk [tilespmem:v1+s26+$0x0], $0xffff  }
0x172: {  	v4 =	vld [tilespmem:s15+$0x2000];
	v3 =	vmul.f32 $1.600000000e+01, v3;
	_ =	sdelay $0x1  }
0x173: {  	v7 =	vld [tilespmem:s15+$0x2100];
	v3 =	vmul.f32 $1.442695020e+00, v3  }
0x174: {  	v18 =	vmul.f32 v11, v12;
	v17 =	vmul.f32 v11, v9  }
0x175: {  	v15 =	vmul.f32 v11, v10;
	(erf) = vpow2.f32 v3  }
0x176: {  	v11 =	vmul.f32 v11, v13;
	v20 =	vmul.f32 v4, v12;
	v3 =	vld [tilespmem:s15+$0x2180]  }
0x177: {  	v19 =	vmul.f32 v4, v13  }
0x178: {  	v22 =	vmul.f32 v7, v12;
	v14 =	vmul.f32 v7, v9;
	v11 =	vadd.f32 v11, v20  }
0x179: {  	v21 =	vmul.f32 v7, v10;
	v16 =	vmul.f32 v4, v10;
	v18 =	vsub.f32 v19, v18  }
0x17a: {  	v7 =	vmul.f32 v7, v13;
	v4 =	vmul.f32 v4, v9;
	v11 =	vadd.f32 v14, v11  }
0x17b: {  	v16 =	vsub.f32 v16, v17;
	v17 =	vsub.f32 v18, v21;
	v9 =	vmul.f32 v3, v9  }
0x17c: {  	v4 =	vadd.f32 v15, v4;
	v10 =	vmul.f32 v3, v10  }
0x17d: {  	v7 =	vadd.f32 v7, v16;
	v12 =	vmul.f32 v3, v12;
	v9 =	vsub.f32 v17, v9  }
0x17e: {  	v4 =	vsub.f32 v4, v22;
	v3 =	vmul.f32 v3, v13;
	v10 =	vsub.f32 v11, v10;
	v11 =	vpop (erf)  }
0x17f: {  	v7 =	vadd.f32 v12, v7;
	v9 =	vmul.f32 v11, v9  }
0x180: {  	v3 =	vadd.f32 v3, v4;
	[tilespmem:v6+s24+$0x0] =	vst.idx.msk $0xffff, v11;
	v4 =	vmul.f32 v11, v10  }
0x181: {  	v6 =	vmul.f32 v11, v7;
	[tilespmem:v8+s24+$0x0] =	vst.idx.msk $0xffff, v9  }
0x182: {  	v3 =	vmul.f32 v11, v3;
	[tilespmem:v5+s24+$0x0] =	vst.idx.msk $0xffff, v4  }
0x183: {  	[tilespmem:v1+s24+$0x0] =	vst.idx.msk $0xffff, v6  }
0x184: {  	s9 =	simm.s32 @!p0 $0x1;
	[tilespmem:v2+s24+$0x0] =	vst.idx.msk $0xffff, v3  }
0x185: {  	_ =	swait.ge @!p0 [sflag:s9], $0x400  }
0x186: {  	[sflag:s9] =	ssyncset.done @!p0 $0x0  }
0x187: {  	[sflag:s9] =	ssyncadd.s32 @!p0 $0xFFFFFC00  }
0x188: {  	_ =	swait.ge @!p0 [sflag:s9], $0x400  }
0x189: {  	[sflag:s9] =	ssyncset.done @!p0 $0x0  }
0x18a: {  	s16 =	simm.s32 $0x200;
	[sflag:s9] =	ssyncadd.s32 @!p0 $0xFFFFFC00  }
0x18b: {  	v1 =	vmov s16;
	_ =	swait.ge @!p0 [sflag:s9], $0x1000  }
0x18c: {  	v1 =	vshll.u32 v1, $0x3;
	[sflag:s9] =	ssyncset.done @!p0 $0x0  }
0x18d: {  	v2 =	vor.u32 v0, v1;
	[sflag:s9] =	ssyncadd.s32 @!p0 $0xFFFFF000  }
0x18e: {  	_ =	swait.ge @!p0 [sflag:s9], $0x400  }
0x18f: {  	s14 =	simm.s32 @!p0 $0x3800;
	v1 =	vor.u32 $0x4, v2;
	[sflag:s9] =	ssyncset.done @!p0 $0x0  }
0x190: {  	s12 =	simm.s32 @!p0 $0x0;
	v5 =	vor.u32 $0x3, v2;
	[sflag:s9] =	ssyncadd.s32 @!p0 $0xFFFFFC00;
	s9 =	simm.s32 @!p0 $0x400  }
0x191: {  	[tilespmem:s14], [sflag:$0x3] =	stream.indirect.gather @!p0 [hbm4b:s8+s9], $0x8, s12, s9, $0xb8;
	[tilespmem:$0x17C00] =	vst v63  }
0x192: {  	s19 =	simm.s32 $0x200;
	v6 =	vld.idx.msk [tilespmem:v2+s26+$0x0], $0xffff  }
0x193: {  	s17 =	simm.s32 $0x0;
	s14 =	simm.s32 $0x800;
	v7 =	vld [tilespmem:s19+$0x3400]  }
0x194: {  	s9 =	sand.u32 $0x70, s17;
	s21 =	sand.u32 $0xE00, s14;
	v8 =	vld.idx.msk [tilespmem:v1+s26+$0x0], $0xffff  }
0x195: {  	v4 =	vor.u32 $0x1, v2;
	v9 =	vld.idx.msk [tilespmem:v5+s26+$0x0], $0xffff;
	s9 =	sor.u32 s9, s21  }
0x196: {  	v3 =	vor.u32 $0x2, v2;
	v14 =	vld [tilespmem:s9+$0x2100]  }
0x197: {  	v12 =	vld [tilespmem:s9+$0x2000]  }
0x198: {  	v16 =	vld [tilespmem:s9+$0x2080]  }
0x199: {  	v6 =	vmul.f32 v7, v6  }
0x19a: {  	v10 =	vld.idx.msk [tilespmem:v4+s26+$0x0], $0xffff  }
0x19b: {  	v7 =	vld.idx.msk [tilespmem:v3+s26+$0x0], $0xffff;
	v6 =	vmul.f32 $1.600000000e+01, v6  }
0x19c: {  	s15 =	simm.s32 $0x210;
	v13 =	vmul.f32 v12, v8;
	v11 =	vmul.f32 v14, v8  }
0x19d: {  	v15 =	vmov s15;
	v18 =	vmul.f32 v16, v9;
	v6 =	vmul.f32 $1.442695020e+00, v6  }
0x19e: {  	v15 =	vshll.u32 v15, $0x3;
	v17 =	vmul.f32 v16, v8;
	v20 =	vmul.f32 v12, v9  }
0x19f: {  	v21 =	vmul.f32 v12, v10;
	v13 =	vadd.f32 v18, v13;
	(erf) = vpow2.f32 v6  }
0x1a0: {  	v19 =	vmul.f32 v16, v7;
	v6 =	vor.u32 v0, v15;
	v15 =	vmul.f32 v12, v7;
	v12 =	vld [tilespmem:s9+$0x2180]  }
0x1a1: {  	v18 =	vmul.f32 v16, v10;
	v16 =	vsub.f32 v20, v17;
	v17 =	vmul.f32 v14, v10  }
0x1a2: {  	s16 =	simm.s32 $0x220;
	v20 =	vmul.f32 v14, v9;
	v14 =	vmul.f32 v14, v7;
	v19 =	vsub.f32 v21, v19  }
.LBB2_12:
0x1a3: {  	p0 =	sne.s32 s16, $0x3F0  }
0x1a4: {  	v15 =	vadd.f32 v18, v15;
	v16 =	vadd.f32 v17, v16;
	s14 =	sadd.s32 $0x40, s14;
	s9 =	smov.u32 s16;
	s16 =	sadd.s32 $0x10, s16  }
0x1a5: {  	v17 =	vsub.f32 v19, v20;
	v8 =	vmul.f32 v12, v8;
	v10 =	vmul.f32 v12, v10  }
0x1a6: {  	v9 =	vmul.f32 v12, v9;
	v13 =	vsub.f32 v13, v14;
	v18 =	vadd.f32 v11, v15  }
0x1a7: {  	v14 =	vor.u32 $0x4, v6;
	v7 =	vmul.f32 v12, v7;
	v8 =	vsub.f32 v17, v8  }
0x1a8: {  	v12 =	vor.u32 $0x1, v6;
	v15 =	vor.u32 $0x2, v6;
	v9 =	vsub.f32 v18, v9;
	v11 =	vpop (erf)  }
0x1a9: {  	v7 =	vadd.f32 v7, v16;
	[tilespmem:v2+s24+$0x0] =	vst.idx.msk $0xffff, v11;
	v8 =	vmul.f32 v11, v8;
	v2 =	vmov v6  }
0x1aa: {  	v6 =	vadd.f32 v10, v13;
	v9 =	vmul.f32 v11, v9  }
0x1ab: {  	v7 =	vmul.f32 v11, v7;
	[tilespmem:v4+s24+$0x0] =	vst.idx.msk $0xffff, v8;
	v4 =	vmov v12  }
0x1ac: {  	v6 =	vmul.f32 v11, v6;
	[tilespmem:v3+s24+$0x0] =	vst.idx.msk $0xffff, v9;
	v3 =	vmov v15  }
0x1ad: {  	[tilespmem:v5+s24+$0x0] =	vst.idx.msk $0xffff, v7  }
0x1ae: {  	s12 =	sadd.s32 $0xFFFFFE00, s15;
	s15 =	smov.u32 s9;
	[tilespmem:v1+s24+$0x0] =	vst.idx.msk $0xffff, v6;
	v1 =	vmov v14  }
0x1af: {  	s9 =	sand.u32 $0x70, s12;
	s12 =	sand.u32 $0xE00, s14;
	s17 =	sshra.s32 s14, $0x2;
	v6 =	vld.idx.msk [tilespmem:v2+s26+$0x0], $0xffff  }
0x1b0: {  	s9 =	sor.u32 s9, s12;
	v5 =	vor.u32 $0x3, v2;
	v7 =	vld [tilespmem:s17+$0x3400]  }
0x1b1: {  	v14 =	vld [tilespmem:s9+$0x2100]  }
0x1b2: {  	v16 =	vld [tilespmem:s9+$0x2080]  }
0x1b3: {  	v8 =	vld.idx.msk [tilespmem:v1+s26+$0x0], $0xffff  }
0x1b4: {  	v13 =	vld [tilespmem:s9+$0x2000]  }
0x1b5: {  	v9 =	vld.idx.msk [tilespmem:v5+s26+$0x0], $0xffff;
	v6 =	vmul.f32 v7, v6  }
0x1b6: {  	v7 =	vld.idx.msk [tilespmem:v15+s26+$0x0], $0xffff  }
0x1b7: {  	v10 =	vld.idx.msk [tilespmem:v12+s26+$0x0], $0xffff;
	v6 =	vmul.f32 $1.600000000e+01, v6;
	_ =	sdelay $0x1  }
0x1b8: {  	v6 =	vmul.f32 $1.442695020e+00, v6;
	v17 =	vmul.f32 v13, v8  }
0x1b9: {  	v12 =	vmov s15;
	v11 =	vmul.f32 v14, v8;
	v19 =	vmul.f32 v16, v8  }
.Ltmp9:
0x1ba: {  	v12 =	vshll.u32 v12, $0x3;
	v18 =	vmul.f32 v16, v9;
	(erf) = vpow2.f32 v6;
	(pc) =	sbr.rel @p0 .LBB2_12-.Ltmp9, $4  }
0x1bb: {  	v21 =	vmul.f32 v13, v9;
	v6 =	vor.u32 v0, v12;
	v20 =	vmul.f32 v16, v7;
	v12 =	vld [tilespmem:s9+$0x2180]  }
0x1bc: {  	v15 =	vmul.f32 v13, v7;
	v22 =	vmul.f32 v13, v10;
	v13 =	vadd.f32 v18, v17  }
0x1bd: {  	v18 =	vmul.f32 v16, v10;
	v16 =	vsub.f32 v21, v19;
	v17 =	vmul.f32 v14, v10  }
0x1be: {  	v19 =	vsub.f32 v22, v20;
	v20 =	vmul.f32 v14, v9;
	v14 =	vmul.f32 v14, v7  }
0x1bf: {  	v15 =	vadd.f32 v18, v15  }
0x1c0: {  	v40 =	vsub.f32 v19, v20;
	v8 =	vmul.f32 v12, v8  }
0x1c1: {  	v9 =	vmul.f32 v12, v9;
	v11 =	vadd.f32 v11, v15  }
0x1c2: {  	v41 =	vadd.f32 v17, v16;
	v7 =	vmul.f32 v12, v7;
	v8 =	vsub.f32 v40, v8  }
0x1c3: {  	v10 =	vmul.f32 v12, v10;
	v42 =	vsub.f32 v13, v14;
	v9 =	vsub.f32 v11, v9;
	v43 =	vpop (erf)  }
0x1c4: {  	v7 =	vadd.f32 v7, v41;
	v8 =	vmul.f32 v43, v8  }
0x1c5: {  	[tilespmem:v2+s24+$0x0] =	vst.idx.msk $0xffff, v43;
	v2 =	vadd.f32 v10, v42;
	v9 =	vmul.f32 v43, v9  }
0x1c6: {  	v44 =	vmul.f32 v43, v7;
	[tilespmem:v4+s24+$0x0] =	vst.idx.msk $0xffff, v8  }
0x1c7: {  	v2 =	vmul.f32 v43, v2;
	[tilespmem:v3+s24+$0x0] =	vst.idx.msk $0xffff, v9  }
0x1c8: {  	[tilespmem:v5+s24+$0x0] =	vst.idx.msk $0xffff, v44  }
0x1c9: {  	s9 =	sadd.s32 $0x40, s14;
	[tilespmem:v1+s24+$0x0] =	vst.idx.msk $0xffff, v2  }
0x1ca: {  	s12 =	sshra.s32 s9, $0x2;
	v2 =	vld.idx.msk [tilespmem:v6+s26+$0x0], $0xffff  }
0x1cb: {  	s19 =	sadd.s32 $0xFFFFFE00, s15;
	v46 =	vor.u32 $0x2, v6;
	v3 =	vld [tilespmem:s12+$0x3400]  }
0x1cc: {  	v47 =	vor.u32 $0x1, v6;
	s21 =	sand.u32 $0x70, s19;
	s9 =	sand.u32 $0xE00, s9  }
0x1cd: {  	s9 =	sor.u32 s21, s9  }
0x1ce: {  	v1 =	vor.u32 $0x4, v6;
	v8 =	vld [tilespmem:s9+$0x2080]  }
0x1cf: {  	v45 =	vor.u32 $0x3, v6;
	v48 =	vld [tilespmem:s9+$0x2000]  }
0x1d0: {  	v49 =	vld.idx.msk [tilespmem:v46+s26+$0x0], $0xffff;
	v2 =	vmul.f32 v3, v2  }
0x1d1: {  	v50 =	vld.idx.msk [tilespmem:v47+s26+$0x0], $0xffff  }
0x1d2: {  	v51 =	vld [tilespmem:s9+$0x2100];
	v2 =	vmul.f32 $1.600000000e+01, v2  }
0x1d3: {  	v9 =	vld.idx.msk [tilespmem:v1+s26+$0x0], $0xffff  }
0x1d4: {  	v3 =	vld.idx.msk [tilespmem:v45+s26+$0x0], $0xffff;
	v2 =	vmul.f32 $1.442695020e+00, v2  }
0x1d5: {  	v55 =	vmul.f32 v8, v49  }
0x1d6: {  	v57 =	vmul.f32 v48, v50;
	(erf) = vpow2.f32 v2  }
0x1d7: {  	v54 =	vld [tilespmem:s9+$0x2180];
	v10 =	vmul.f32 v48, v49;
	v61 =	vmul.f32 v51, v50  }
0x1d8: {  	v13 =	vmul.f32 v51, v49;
	v53 =	vmul.f32 v8, v9  }
0x1d9: {  	v2 =	vmul.f32 v8, v3;
	v8 =	vmul.f32 v8, v50  }
0x1da: {  	v58 =	vsub.f32 v57, v55;
	v56 =	vmul.f32 v48, v3;
	v59 =	vmul.f32 v51, v3  }
0x1db: {  	v52 =	vmul.f32 v48, v9;
	v60 =	vmul.f32 v51, v9;
	v8 =	vadd.f32 v8, v10  }
0x1dc: {  	v9 =	vmul.f32 v54, v9;
	v15 =	vsub.f32 v56, v53;
	v14 =	vsub.f32 v58, v59  }
0x1dd: {  	v3 =	vmul.f32 v54, v3;
	v2 =	vadd.f32 v2, v52;
	v8 =	vadd.f32 v60, v8  }
0x1de: {  	v11 =	vmul.f32 v54, v49;
	v10 =	vadd.f32 v61, v15;
	v9 =	vsub.f32 v14, v9  }
0x1df: {  	v12 =	vmul.f32 v54, v50;
	v2 =	vsub.f32 v2, v13;
	v3 =	vsub.f32 v8, v3;
	v62 =	vpop (erf)  }
0x1e0: {  	v10 =	vadd.f32 v11, v10;
	v9 =	vmul.f32 v62, v9  }
0x1e1: {  	v2 =	vadd.f32 v12, v2;
	[tilespmem:v6+s24+$0x0] =	vst.idx.msk $0xffff, v62;
	v3 =	vmul.f32 v62, v3  }
.Ltmp10:
0x1e2: {  	v63 =	vmul.f32 v62, v10;
	[tilespmem:v47+s24+$0x0] =	vst.idx.msk $0xffff, v9;
	(pc) =	sbr.rel .LBB2_14-.Ltmp10, $4  }
0x1e3: {  	v2 =	vmul.f32 v62, v2;
	[tilespmem:v46+s24+$0x0] =	vst.idx.msk $0xffff, v3  }
0x1e4: {  	[tilespmem:v45+s24+$0x0] =	vst.idx.msk $0xffff, v63  }
0x1e5: {  	[tilespmem:v1+s24+$0x0] =	vst.idx.msk $0xffff, v2  }
0x1e6: {  	[spmem:s3] =	stream.indirect.scatter.add.f32 [tilespmem:s24], [sflag:$0x6], $0x8, s28, s30, $0xb8;
	[tilespmem:$0x17C00] =	vst v63  }
.LBB2_16:
0x1e7: {  	_ =	sfence.sel $0x180000  }
0x1e8: {  	[bflag:$0x0] =	sbarrier.arrive $0xFFFF  }
0x1e9: {  	_ =	strace $0x90000047  }
0x1ea: {  	s0 =	stileid.u32;
	[bflag:$0x2] =	sbarrier.arrive $0xFFFF  }
0x1eb: {  	p0 =	sne.s32 s0, $0x0;
	s0 =	rddreg [dreg:$0x4]  }
0x1ec: {  	s0 =	sadd.s32 @!p0 $0x100000, s0  }
0x1ed: {  	[sflag:s0] =	ssyncadd.tile.s32 @!p0 $0x1;
	_ =	shalt  }
.Lfunc_end2:
_tile_overlayer_lowered:
.L_overlay_start_2:
0x1ee: {  	(tag) =	ssettag $0x2  }
0x1ef: {  	s0 =	rddreg [dreg:$0x0];
	s2 =	stileid.u32  }
0x1f0: {  	s1 =	rddreg [dreg:$0x1];
	p0 =	sne.s32 s2, $0x0  }
0x1f1: {  	s3 =	rddreg [dreg:$0x2];
	[bflag:$0x3] =	sbarrier.arrive $0xFFFF;
	s2 =	simm.s32 @!p0 $0x1C07  }
0x1f2: {  	[timem:s3], [sflag:s2] =	dma.local @!p0 [hbm:s0], s1  }
0x1f3: {  	s0 =	simm.s32 @!p0 $0x7  }
0x1f4: {  	_ =	swait.ge @!p0 [sflag:s0], s1  }
0x1f5: {  	s1 =	ssub.s32 @!p0 $0x0, s1;
	[sflag:s0] =	ssyncset.done @!p0 $0x0  }
0x1f6: {  	[sflag:s0] =	ssyncadd.s32 @!p0 s1  }
0x1f7: {  	[bflag:$0x3] =	sbarrier.arrive $0xFFFF  }
0x1f8: {  	_ =	shalt  }

// kernel: kernel.7.cloned.1.call-start
scs
__scs_entry_jumppad:
0x0: {  	(pc) =	sbr.rel $0x88, $3  }
0x1: {  	(tag) =	ssettag $0x0;
	lr =	simm.s32 $0x1  }
0x2: {  	[smem:$0x3F9C] =	sst lr;
	_ =	strace $0xD0000000  }
0x3: {  	_ = 	snop  }
0x4: {  	_ = 	snop  }
0x5: {  	_ = 	snop  }
0x6: {  	_ = 	snop  }
0x7: {  	_ = 	snop  }
__scs_overlays_trampoline_lowered:
0x8: {  	[smem:$0x3FAB] =	sst s0  }
0x9: {  	[smem:$0x3FAC] =	sst s1  }
0xa: {  	[smem:$0x3FAD] =	sst s2  }
0xb: {  	[smem:$0x3FAE] =	sst s3  }
0xc: {  	[smem:$0x3FAF] =	sst s4  }
0xd: {  	[smem:$0x3FB0] =	sst s5  }
0xe: {  	[smem:$0x3FB1] =	sst s6  }
0xf: {  	[smem:$0x3FB2] =	sst s7  }
0x10: {  	[smem:$0x3FB3] =	sst s8  }
0x11: {  	[smem:$0x3FB4] =	sst s9;
	s0 =	simm.s32 @!p0 $0x0  }
0x12: {  	s1 =	sld [smem:$0x3F9A];
	s0 =	simm.s32 @p0 $0x1  }
0x13: {  	[smem:$0x3FB5] =	sst s0;
	s0 =	simm.s32 @!p1 $0x0  }
0x14: {  	s2 =	sld [smem:$0x3F99];
	s0 =	simm.s32 @p1 $0x1  }
0x15: {  	[smem:$0x3FB6] =	sst s0;
	s0 =	simm.s32 @!p2 $0x0  }
0x16: {  	s3 =	sld [smem:$0x3FDB];
	s0 =	simm.s32 @p2 $0x1  }
0x17: {  	s4 =	simm.s32 $0x1BF5;
	[smem:$0x3FB8] =	sst s0  }
0x18: {  	s0 =	sld [smem:$0x3F9B];
	_ =	swait.ge [sflag:s4], $0x0  }
0x19: {  	s7 =	sld [smem:$0x3F9C]  }
0x1a: {  	s8 =	sadd.s32 $0xFFFFE003, lr  }
0x1b: {  	s9 =	sadd.s32 $0xFFFFFEF7, lr;
	s5 =	simm.s32 $0xFFFFFFFF;
	p2 =	slt.u32 s8, $0xFFFFF086  }
0x1c: {  	p1 =	slt.u32 s9, $0xF7A;
	s5 =	simm.s32 @!p2 $0x0  }
0x1d: {  	s5 =	simm.s32 @p1 $0x1;
	p0 =	seq.s32 s7, s2  }
0x1e: {  	s7 =	smul.u32 @!p0 $0xF7A, s2;
	p2 =	seq.s32 @!p0 s5, $0x0  }
0x1f: {  	s9 =	smul.u32 $0xF7A, s1;
	s8 =	simm.s32 @!p0 $0x1BF5;
	p2 =	por !p2, p0  }
0x20: {  	[sflag:s8] =	ssyncset.s32 @!p0 $0xFFFFF086;
	s6 =	sadd.s32 @!p0 s3, s7;
	s7 =	simm.s32 @!p0 $0x108  }
0x21: {  	s3 =	sadd.s32 s3, s9;
	s6 =	sadd.s32 @!p0 $0x88, s6;
	s7 =	simm.s32 @p2 $0x1082  }
0x22: {  	[simem:s7], [sflag:s8] =	dma.local @!p0 [hbm:s6], $0xF7A  }
0x23: {  	s9 =	sor.u32 $0xD0000000, s2;
	s6 =	simm.s32 $0x108;
	_ =	swait.ge @!p0 [sflag:s8], $0x0  }
0x24: {  	s3 =	sadd.s32 $0x88, s3;
	s6 =	simm.s32 @!p1 $0x1082;
	[sflag:s4] =	ssyncset.s32 $0xFFFFF086  }
0x25: {  	[simem:s6], [sflag:s4] =	dma.local [hbm:s3], $0xF7A  }
0x26: {  	[smem:$0x3F9C] =	sst s1;
	(tag) =	ssettag s2;
	_ =	strace s9  }
0x27: {  	s1 =	sld [smem:$0x3FAC]  }
0x28: {  	s2 =	sld [smem:$0x3FAD]  }
0x29: {  	s4 =	sld [smem:$0x3FAF]  }
0x2a: {  	p0 =	seq.s32 s5, $0x0;
	s5 =	sld [smem:$0x3FB0]  }
0x2b: {  	s6 =	sld [smem:$0x3FB1]  }
0x2c: {  	s7 =	sld [smem:$0x3FB2]  }
0x2d: {  	s3 =	simm.s32 $0x108;
	s8 =	sld [smem:$0x3FB3]  }
0x2e: {  	s3 =	simm.s32 @!p0 $0x1082;
	s9 =	sld [smem:$0x3FB4]  }
0x2f: {  	lr =	sadd.s32 s0, s3;
	s0 =	sld [smem:$0x3FAB]  }
0x30: {  	s3 =	sld [smem:$0x3FAE]  }
0x31: {  	[smem:$0x3FB7] =	sst s10  }
0x32: {  	s10 =	sld [smem:$0x3FB5];
	_ =	sdelay $0x3  }
0x33: {  	p0 =	seq.s32 s10, $0x1;
	s10 =	sld [smem:$0x3FB7];
	_ =	sdelay $0x3  }
0x34: {  	[smem:$0x3FB7] =	sst s10  }
0x35: {  	s10 =	sld [smem:$0x3FB6];
	_ =	sdelay $0x3  }
0x36: {  	p1 =	seq.s32 s10, $0x1;
	s10 =	sld [smem:$0x3FB7];
	_ =	sdelay $0x3  }
0x37: {  	[smem:$0x3FB7] =	sst s10  }
0x38: {  	s10 =	sld [smem:$0x3FB8]  }
0x39: {  	_ = 	snop;
	(pc) =	sbr.ind lr, $3  }
0x3a: {  	_ = 	snop  }
0x3b: {  	_ = 	snop  }
0x3c: {  	p2 =	seq.s32 s10, $0x1;
	s10 =	sld [smem:$0x3FB7]  }
0x3d: {  	_ =	shalt  }
0x3e: {  	_ =	shalt  }
0x3f: {  	_ =	shalt  }
0x40: {  	_ =	shalt  }
0x41: {  	_ =	shalt  }
0x42: {  	_ =	shalt  }
0x43: {  	_ =	shalt  }
0x44: {  	_ =	shalt  }
0x45: {  	_ =	shalt  }
0x46: {  	_ =	shalt  }
0x47: {  	_ =	shalt  }
0x48: {  	_ =	shalt  }
0x49: {  	_ =	shalt  }
0x4a: {  	_ =	shalt  }
0x4b: {  	_ =	shalt  }
0x4c: {  	_ =	shalt  }
0x4d: {  	_ =	shalt  }
0x4e: {  	_ =	shalt  }
0x4f: {  	_ =	shalt  }
0x50: {  	_ =	shalt  }
0x51: {  	_ =	shalt  }
0x52: {  	_ =	shalt  }
0x53: {  	_ =	shalt  }
0x54: {  	_ =	shalt  }
0x55: {  	_ =	shalt  }
0x56: {  	_ =	shalt  }
0x57: {  	_ =	shalt  }
0x58: {  	_ =	shalt  }
0x59: {  	_ =	shalt  }
0x5a: {  	_ =	shalt  }
0x5b: {  	_ =	shalt  }
0x5c: {  	_ =	shalt  }
0x5d: {  	_ =	shalt  }
0x5e: {  	_ =	shalt  }
0x5f: {  	_ =	shalt  }
0x60: {  	_ =	shalt  }
0x61: {  	_ =	shalt  }
0x62: {  	_ =	shalt  }
0x63: {  	_ =	shalt  }
0x64: {  	_ =	shalt  }
0x65: {  	_ =	shalt  }
0x66: {  	_ =	shalt  }
0x67: {  	_ =	shalt  }
0x68: {  	_ =	shalt  }
0x69: {  	_ =	shalt  }
0x6a: {  	_ =	shalt  }
0x6b: {  	_ =	shalt  }
0x6c: {  	_ =	shalt  }
0x6d: {  	_ =	shalt  }
0x6e: {  	_ =	shalt  }
0x6f: {  	_ =	shalt  }
0x70: {  	_ =	shalt  }
0x71: {  	_ =	shalt  }
0x72: {  	_ =	shalt  }
0x73: {  	_ =	shalt  }
0x74: {  	_ =	shalt  }
0x75: {  	_ =	shalt  }
0x76: {  	_ =	shalt  }
0x77: {  	_ =	shalt  }
0x78: {  	_ =	shalt  }
0x79: {  	_ =	shalt  }
0x7a: {  	_ =	shalt  }
0x7b: {  	_ =	shalt  }
0x7c: {  	_ =	shalt  }
0x7d: {  	_ =	shalt  }
0x7e: {  	_ =	shalt  }
0x7f: {  	_ =	shalt  }
0x80: {  	_ =	shalt  }
0x81: {  	_ =	shalt  }
0x82: {  	_ =	shalt  }
0x83: {  	_ =	shalt  }
0x84: {  	_ =	shalt  }
0x85: {  	_ =	shalt  }
0x86: {  	_ =	shalt  }
0x87: {  	_ =	shalt  }
.Lfunc_end0:
.L_simem_size_0:
called_computation.1_lowered:
.L_overlay_start_0:
0x88: {  	s2 =	sld [smem:$0x3FD9]  }
0x89: {  	s3 =	sld [smem:$0x3FFE];
	_ =	sdelay $0x1  }
0x8a: {  	s1 =	srdreg.scid  }
0x8b: {  	s0 =	sand.u32 $0x1, s1  }
0x8c: {  	s16 =	sshll.u32 s0, $0xA;
	s2 =	sadd.s32 s3, s2  }
0x8d: {  	s2 =	sadd.s32 s2, s16  }
0x8e: {  	[smem:$0x3FC3] =	sst s2  }
0x8f: {  	_ = 	snop  }
0x90: {  	(tm) =	ssettm $0x1  }
0x91: {  	s17 =	sld [smem:$0x3FFB];
	_ =	sdelay $0x3  }
0x92: {  	_ =	strace s17  }
0x93: {  	s2 =	sld [smem:$0x3FFC];
	_ =	sdelay $0x3  }
0x94: {  	_ =	strace s2  }
0x95: {  	s2 =	sld [smem:$0x3FFD];
	_ =	sdelay $0x3  }
0x96: {  	_ =	strace s2  }
0x97: {  	_ =	strace $0x8FFFFFFF  }
0x98: {  	s18 =	sld [smem:$0x3FDB];
	_ =	sdelay $0x1  }
0x99: {  	s19 =	simm.s32 $_scs_section_size  }
0x9a: {  	s4 =	simm.s32 $_size__tile_overlayer_lowered;
	s5 =	simm.s32 $_tile_overlayer_lowered  }
0x9b: {  	s22 =	simm.s32 $0x1BFF;
	s21 =	sshll.u32 s5, $0x1;
	s2 =	sadd.s32 s19, s18  }
0x9c: {  	s6 =	simm.s32 $0x0;
	s20 =	sshll.u32 s4, $0x1;
	s4 =	sadd.s32 s21, s2  }
0x9d: {  	[timem:s6], [sflag:s22] =	dma.local [hbm:s4], s20  }
0x9e: {  	_ =	swait.ge [sflag:s22], s20  }
0x9f: {  	s3 =	ssub.s32 $0x0, s20;
	[sflag:s22] =	ssyncset.done $0x0  }
0xa0: {  	[sflag:s22] =	ssyncadd.s32 s3;
	_ =	sdelay $0x1  }
0xa1: {  	s23 =	simm.s32 $0x1B8B  }
0xa2: {  	_ =	swait.ge [sflag:s23], $0x1  }
0xa3: {  	[sflag:s23] =	ssyncset.done $0x0  }
0xa4: {  	s25 =	simm.s32 $0x1B8E;
	s24 =	sld [smem:$0x3FFE];
	[sflag:s23] =	ssyncadd.s32 $0xFFFFFFFF  }
0xa5: {  	s26 =	simm.s32 $execute0_lowered;
	[smem:$0x3FD2] =	sst s25  }
0xa6: {  	s4 =	sshll.u32 s26, $0x1;
	_ =	strace $0x80000049;
	[dreg:$0x1] =	wrdreg $0xFFFFFFFF  }
0xa7: {  	s28 =	simm.s32 $_size_execute0_lowered;
	s2 =	sadd.s32 s2, s4;
	[dreg:$0x0] =	wrdreg $0x0  }
0xa8: {  	s4 =	sshll.u32 s28, $0x1;
	[dreg:$0x2] =	wrdreg s2  }
0xa9: {  	[dreg:$0x3] =	wrdreg s4  }
0xaa: {  	[dreg:$0x4] =	wrdreg $0xC0  }
0xab: {  	_ =	task [dreg:s6], $0x5FFFF  }
0xac: {  	[dreg:$0x1] =	wrdreg $0xFFFFFFFF  }
0xad: {  	[dreg:$0x0] =	wrdreg $0x60  }
0xae: {  	[dreg:$0x2] =	wrdreg s24  }
0xaf: {  	[dreg:$0x3] =	wrdreg $0x9  }
0xb0: {  	_ =	task.clear_ibuf [dreg:s6], $0x4FFFF;
	_ =	strace $0x90000049  }
0xb1: {  	s29 =	simm.s32 $0x9;
	_ =	strace $0x8000004B  }
0xb2: {  	_ =	swait.ge [sflag:s29], $0x1  }
0xb3: {  	[sflag:s29] =	ssyncadd.s32 $0xFFFFFFFF  }
0xb4: {  	_ =	strace $0x9000004B  }
0xb5: {  	_ =	sfence  }
0xb6: {  	s30 =	sld [smem:$0x0];
	_ =	sdelay $0x2  }
0xb7: {  	s31 =	sshll.u32 s1, $0xD;
	s1 =	sshrl.u32 s1, $0x2  }
0xb8: {  	s3 =	sand.u32 $0x4000, s31;
	s1 =	sadd.s32 s1, s30  }
0xb9: {  	s0 =	sor.u32 s3, s0;
	s1 =	sshll.u32 s1, $0x11  }
0xba: {  	s0 =	sor.u32 s1, s0  }
0xbb: {  	s0 =	sadd.s32 $0x8F2B, s0  }
0xbc: {  	[sflag:s0] =	ssyncadd.remote.s32 $0x1  }
0xbd: {  	_ =	sfence.sel $0xFFFF  }
0xbe: {  	[dreg:$0x0] =	wrdreg $0xFFFFFFFF;
	(pc) =	sbr.abs _section_cstart, $3  }
0xbf: {  	[dreg:$0x1] =	wrdreg $0xFFFFFFFF  }
0xc0: {  	_ =	task.clear_ibuf [dreg:s6], $0x2FFFF;
	_ =	strace $0x9FFFFFFF  }
0xc1: {  	(tm) =	ssettm $0x7FFFFFFF  }
tec
execute0_lowered:
.L_overlay_start_1:
0x0: {  	(tag) =	ssettag $0x1  }
0x1: {  	s3 =	rddreg [dreg:$0x0]  }
0x2: {  	s1 =	srdreg.scid;
	s0 =	rddreg [dreg:$0x1];
	s2 =	simm.s32 $0x0  }
0x3: {  	s11 =	simm.s32 $0x1;
	s12 =	simm.s32 $0x6200;
	s13 =	simm.s32 $0xC400  }
0x4: {  	s14 =	simm.s32 $0x12600;
	s15 =	simm.s32 $0x13240;
	s4 =	sand.u32 $0x1, s1  }
0x5: {  	s16 =	simm.s32 $0x13E80;
	s1 =	stileid.u32;
	s5 =	sshll.u32 s4, $0x4  }
0x6: {  	s17 =	simm.s32 $0x14AC0;
	s4 =	ssub.s32 $0x2, s4;
	s5 =	sor.u32 s1, s5  }
0x7: {  	s18 =	simm.s32 $0x0;
	s30 =	sshrl.u32 s4, $0x1;
	s6 =	smul.u32 $0xC40, s5  }
0x8: {  	[smem:$0x7FF] =	sst s2;
	s5 =	smul.u32 $0x6200, s5;
	s10 =	ssub.s32 s4, s30  }
0x9: {  	s7 =	sadd.s32 $0x1B8600, s3;
	_ =	strace $0x8000004A;
	s10 =	smax.u32 s10, $0x1  }
0xa: {  	s8 =	sadd.s32 s6, s3;
	s9 =	sshrl.u32 s6, $0x3;
	s5 =	sshrl.u32 s5, $0x3  }
0xb: {  	s9 =	sadd.s32 s9, s3;
	s3 =	sadd.s32 s7, s6;
	s31 =	sadd.s32 s7, s5  }
0xc: {  	v0 =	vlaneseq.u32;
	s5 =	sadd.s32 $0xA00, s8;
	s4 =	sadd.s32 $0x18800, s31;
	s6 =	sadd.s32 $0x19200, s9  }
0xd: {  	v0 =	vmul.u32 $0x8, v0;
	s7 =	sadd.s32 $0x1C300, s9;
	s8 =	sadd.s32 $0x1F400, s9;
	s9 =	sadd.s32 $0x22500, s9  }
.LBB2_1:
0xe: {  	[tilespmem:s2], [sflag:$0x1] =	stream.linear.gather [hbm4b:s3+s2], $0x6200, $0x38;
	[tilespmem:$0x15700] =	vst v63  }
0xf: {  	_ =	swait.ge [sflag:s11], $0x6200  }
0x10: {  	[sflag:s11] =	ssyncset.done $0x0  }
0x11: {  	[sflag:s11] =	ssyncadd.s32 $0xFFFF9E00  }
0x12: {  	[tilespmem:s12], [sflag:$0x1] =	stream.linear.gather [hbm4b:s4+s2], $0x6200, $0x38;
	[tilespmem:$0x15700] =	vst v63  }
0x13: {  	v1 =	vmov s2;
	_ =	swait.ge [sflag:s11], $0x6200  }
0x14: {  	v1 =	vshll.u32 v1, $0x3;
	[sflag:s11] =	ssyncset.done $0x0  }
0x15: {  	v1 =	vor.u32 v0, v1;
	[sflag:s11] =	ssyncadd.s32 $0xFFFF9E00  }
0x16: {  	[tilespmem:s13], [sflag:$0x1] =	stream.linear.gather [hbm4b:s5+s2], $0x6200, $0x38;
	[tilespmem:$0x15700] =	vst v63  }
0x17: {  	_ =	swait.ge [sflag:s11], $0x6200  }
0x18: {  	[sflag:s11] =	ssyncset.done $0x0  }
0x19: {  	[sflag:s11] =	ssyncadd.s32 $0xFFFF9E00  }
0x1a: {  	v2 =	vld.idx.msk [tilespmem:v1+s13+$0x0], $0xffff;
	_ =	sdelay $0x4  }
0x1b: {  	v2 =	vmul.f32 $1.600000000e+01, v2;
	_ =	sdelay $0x1  }
0x1c: {  	v2 =	vmul.f32 $1.442695020e+00, v2;
	_ =	sdelay $0x1  }
0x1d: {  	(erf) = vpow2.f32 v2  }
0x1e: {  	v3 =	vor.u32 $0x2, v1  }
0x1f: {  	v5 =	vor.u32 $0x1, v1;
	v4 =	vld.idx.msk [tilespmem:v1+s12+$0x0], $0xffff  }
0x20: {  	v6 =	vld.idx.msk [tilespmem:v1+s2+$0x0], $0xffff;
	_ =	sdelay $0x2  }
0x21: {  	v8 =	vld.idx.msk [tilespmem:v3+s13+$0x0], $0xffff;
	v2 =	vor.u32 $0x4, v1  }
0x22: {  	v9 =	vld.idx.msk [tilespmem:v5+s13+$0x0], $0xffff;
	v1 =	vor.u32 $0x3, v1  }
0x23: {  	v12 =	vld.idx.msk [tilespmem:v3+s12+$0x0], $0xffff;
	v4 =	vadd.f32 v4, v6  }
0x24: {  	v13 =	vld.idx.msk [tilespmem:v5+s12+$0x0], $0xffff;
	v10 =	vpop (erf)  }
0x25: {  	v3 =	vld.idx.msk [tilespmem:v3+s2+$0x0], $0xffff;
	v4 =	vadd.f32 v4, v10  }
0x26: {  	v7 =	vld.idx.msk [tilespmem:v2+s13+$0x0], $0xffff  }
0x27: {  	v6 =	vld.idx.msk [tilespmem:v1+s13+$0x0], $0xffff;
	(erf) = vrcp.f32 v4  }
0x28: {  	v4 =	vld.idx.msk [tilespmem:v5+s2+$0x0], $0xffff  }
0x29: {  	v11 =	vld.idx.msk [tilespmem:v1+s2+$0x0], $0xffff  }
0x2a: {  	v1 =	vld.idx.msk [tilespmem:v1+s12+$0x0], $0xffff  }
0x2b: {  	v5 =	vld.idx.msk [tilespmem:v2+s12+$0x0], $0xffff  }
0x2c: {  	v2 =	vld.idx.msk [tilespmem:v2+s2+$0x0], $0xffff  }
0x2d: {  	v9 =	vmul.f32 v10, v9;
	v4 =	vadd.f32 v13, v4  }
0x2e: {  	v3 =	vadd.f32 v12, v3;
	v8 =	vmul.f32 v10, v8  }
0x2f: {  	s19 =	simm.s32 $0x10;
	v6 =	vmul.f32 v6, v10;
	v1 =	vadd.f32 v1, v11;
	v4 =	vadd.f32 v4, v9  }
0x30: {  	v62 =	vmov s19;
	v7 =	vmul.f32 v7, v10;
	v3 =	vadd.f32 v3, v8;
	v63 =	vpop (erf)  }
0x31: {  	v1 =	vadd.f32 v1, v6;
	v2 =	vadd.f32 v5, v2;
	v5 =	vmul.f32 v4, v63  }
0x32: {  	v4 =	vshll.u32 v62, $0x3;
	v3 =	vmul.f32 v3, v63  }
0x33: {  	v6 =	vadd.f32 v2, v7;
	v7 =	vmul.f32 v1, v63;
	v4 =	vor.u32 v0, v4;
	[tilespmem:s14+$0x0] =	vst v5  }
0x34: {  	s26 =	simm.s32 $0x20;
	s20 =	simm.s32 $0x13E90;
	s23 =	simm.s32 $0x14AC0;
	v2 =	vor.u32 $0x1, v4;
	[tilespmem:s15+$0x0] =	vst v3  }
0x35: {  	s22 =	simm.s32 $0x12600;
	s21 =	simm.s32 $0x13240;
	s19 =	simm.s32 $0x14AD0;
	v1 =	vor.u32 $0x4, v4;
	v5 =	vmul.f32 v6, v63;
	v3 =	vor.u32 $0x2, v4;
	[tilespmem:s16+$0x0] =	vst v7  }
.LBB2_2:
0x36: {  	s22 =	sadd.s32 $0x10, s22;
	s21 =	sadd.s32 $0x10, s21  }
0x37: {  	[tilespmem:s23+$0x0] =	vst v5;
	s25 =	smov.u32 s26;
	s24 =	sadd.s32 $0x10, s26;
	s23 =	smov.u32 s19  }
0x38: {  	p0 =	sne.s32 s26, $0xC30;
	v5 =	vld.idx.msk [tilespmem:v4+s13+$0x0], $0xffff;
	_ =	sdelay $0x5  }
0x39: {  	v5 =	vmul.f32 $1.600000000e+01, v5;
	_ =	sdelay $0x1  }
0x3a: {  	v5 =	vmul.f32 $1.442695020e+00, v5;
	_ =	sdelay $0x1  }
0x3b: {  	v6 =	vor.u32 $0x3, v4;
	v7 =	vld.idx.msk [tilespmem:v1+s13+$0x0], $0xffff;
	(erf) = vpow2.f32 v5  }
0x3c: {  	v5 =	vld.idx.msk [tilespmem:v4+s12+$0x0], $0xffff  }
0x3d: {  	v4 =	vld.idx.msk [tilespmem:v4+s2+$0x0], $0xffff  }
0x3e: {  	v8 =	vld.idx.msk [tilespmem:v3+s13+$0x0], $0xffff  }
0x3f: {  	v9 =	vld.idx.msk [tilespmem:v2+s13+$0x0], $0xffff  }
0x40: {  	v10 =	vld.idx.msk [tilespmem:v6+s13+$0x0], $0xffff;
	_ =	sdelay $0x2  }
0x41: {  	v4 =	vadd.f32 v5, v4;
	v5 =	vld.idx.msk [tilespmem:v1+s12+$0x0], $0xffff  }
0x42: {  	v11 =	vld.idx.msk [tilespmem:v6+s2+$0x0], $0xffff;
	v12 =	vpop (erf)  }
0x43: {  	v13 =	vld.idx.msk [tilespmem:v3+s12+$0x0], $0xffff;
	v4 =	vadd.f32 v4, v12;
	v9 =	vmul.f32 v12, v9;
	v8 =	vmul.f32 v12, v8  }
0x44: {  	v10 =	vmul.f32 v10, v12;
	v7 =	vmul.f32 v7, v12;
	v14 =	vld.idx.msk [tilespmem:v2+s12+$0x0], $0xffff  }
0x45: {  	v2 =	vld.idx.msk [tilespmem:v2+s2+$0x0], $0xffff;
	(erf) = vrcp.f32 v4  }
0x46: {  	v3 =	vld.idx.msk [tilespmem:v3+s2+$0x0], $0xffff  }
0x47: {  	v4 =	vld.idx.msk [tilespmem:v6+s12+$0x0], $0xffff  }
0x48: {  	v1 =	vld.idx.msk [tilespmem:v1+s2+$0x0], $0xffff;
	_ =	sdelay $0x2  }
0x49: {  	v2 =	vadd.f32 v14, v2  }
0x4a: {  	v3 =	vadd.f32 v13, v3  }
0x4b: {  	v4 =	vadd.f32 v4, v11;
	v2 =	vadd.f32 v2, v9  }
0x4c: {  	v6 =	vmov s25;
	v1 =	vadd.f32 v5, v1;
	v3 =	vadd.f32 v3, v8;
	v5 =	vpop (erf)  }
.Ltmp0:
0x4d: {  	v6 =	vshll.u32 v6, $0x3;
	v9 =	vadd.f32 v4, v10;
	v8 =	vmul.f32 v2, v5;
	(pc) =	sbr.rel @p0 .LBB2_2-.Ltmp0, $4  }
0x4e: {  	v4 =	vor.u32 v0, v6;
	v6 =	vmul.f32 v3, v5;
	v7 =	vadd.f32 v1, v7  }
0x4f: {  	v2 =	vor.u32 $0x1, v4;
	v3 =	vor.u32 $0x2, v4;
	[tilespmem:s22+$0x0] =	vst v8;
	v8 =	vmul.f32 v9, v5  }
0x50: {  	v1 =	vor.u32 $0x4, v4;
	v5 =	vmul.f32 v7, v5;
	[tilespmem:s21+$0x0] =	vst v6  }
0x51: {  	s19 =	sadd.s32 $0x10, s19;
	s26 =	smov.u32 s24;
	[tilespmem:s20+$0x0] =	vst v8;
	s20 =	sadd.s32 $0x10, s20  }
0x52: {  	_ =	sdelay $0x2  }
0x53: {  	[tilespmem:s23+$0x0] =	vst v5  }
0x54: {  	v5 =	vld.idx.msk [tilespmem:v4+s13+$0x0], $0xffff;
	_ =	sdelay $0x4  }
0x55: {  	v5 =	vmul.f32 $1.600000000e+01, v5;
	_ =	sdelay $0x1  }
0x56: {  	v5 =	vmul.f32 $1.442695020e+00, v5;
	_ =	sdelay $0x1  }
0x57: {  	(erf) = vpow2.f32 v5;
	_ =	sdelay $0x1  }
0x58: {  	v56 =	vld.idx.msk [tilespmem:v4+s12+$0x0], $0xffff  }
0x59: {  	v57 =	vld.idx.msk [tilespmem:v4+s2+$0x0], $0xffff;
	_ =	sdelay $0x1  }
0x5a: {  	v7 =	vld.idx.msk [tilespmem:v1+s13+$0x0], $0xffff  }
0x5b: {  	v8 =	vld.idx.msk [tilespmem:v3+s13+$0x0], $0xffff  }
0x5c: {  	v9 =	vld.idx.msk [tilespmem:v2+s13+$0x0], $0xffff  }
0x5d: {  	v6 =	vor.u32 $0x3, v4;
	v58 =	vld.idx.msk [tilespmem:v1+s12+$0x0], $0xffff;
	v4 =	vadd.f32 v56, v57  }
0x5e: {  	v13 =	vld.idx.msk [tilespmem:v3+s12+$0x0], $0xffff;
	v11 =	vpop (erf)  }
0x5f: {  	v14 =	vld.idx.msk [tilespmem:v2+s12+$0x0], $0xffff;
	v4 =	vadd.f32 v4, v11  }
0x60: {  	v2 =	vld.idx.msk [tilespmem:v2+s2+$0x0], $0xffff  }
0x61: {  	v3 =	vld.idx.msk [tilespmem:v3+s2+$0x0], $0xffff;
	(erf) = vrcp.f32 v4  }
0x62: {  	v10 =	vld.idx.msk [tilespmem:v6+s13+$0x0], $0xffff  }
0x63: {  	v12 =	vld.idx.msk [tilespmem:v6+s2+$0x0], $0xffff  }
0x64: {  	v59 =	vld.idx.msk [tilespmem:v6+s12+$0x0], $0xffff  }
0x65: {  	v1 =	vld.idx.msk [tilespmem:v1+s2+$0x0], $0xffff;
	_ =	sdelay $0x1  }
0x66: {  	v2 =	vadd.f32 v14, v2;
	v60 =	vmul.f32 v11, v9  }
0x67: {  	v3 =	vadd.f32 v13, v3;
	v8 =	vmul.f32 v11, v8  }
0x68: {  	v61 =	vmul.f32 v10, v11;
	v4 =	vadd.f32 v59, v12;
	v2 =	vadd.f32 v2, v60  }
0x69: {  	v1 =	vadd.f32 v58, v1;
	v62 =	vmul.f32 v7, v11;
	v3 =	vadd.f32 v3, v8;
	v63 =	vpop (erf)  }
0x6a: {  	v4 =	vadd.f32 v4, v61;
	v2 =	vmul.f32 v2, v63  }
0x6b: {  	s22 =	sadd.s32 $0x10, s22;
	v1 =	vadd.f32 v1, v62;
	v3 =	vmul.f32 v3, v63  }
0x6c: {  	s21 =	sadd.s32 $0x10, s21;
	[tilespmem:s22+$0x0] =	vst v2;
	v2 =	vmul.f32 v4, v63  }
0x6d: {  	v1 =	vmul.f32 v1, v63;
	[tilespmem:s21+$0x0] =	vst v3  }
0x6e: {  	[tilespmem:s20+$0x0] =	vst v2  }
0x6f: {  	[tilespmem:s19+$0x0] =	vst v1  }
0x70: {  	[hbm4b:s6+s2] =	stream.linear.scatter [tilespmem:s14], [sflag:$0x1], $0xC40, $0x38;
	[tilespmem:$0x15700] =	vst v63  }
0x71: {  	_ =	swait.ge [sflag:s11], $0xC40  }
0x72: {  	[sflag:s11] =	ssyncset.done $0x0  }
0x73: {  	[sflag:s11] =	ssyncadd.s32 $0xFFFFF3C0  }
0x74: {  	[hbm4b:s7+s2] =	stream.linear.scatter [tilespmem:s15], [sflag:$0x1], $0xC40, $0x38;
	[tilespmem:$0x15700] =	vst v63  }
0x75: {  	_ =	swait.ge [sflag:s11], $0xC40  }
0x76: {  	[sflag:s11] =	ssyncset.done $0x0  }
0x77: {  	[sflag:s11] =	ssyncadd.s32 $0xFFFFF3C0  }
0x78: {  	[hbm4b:s8+s2] =	stream.linear.scatter [tilespmem:s16], [sflag:$0x1], $0xC40, $0x38;
	[tilespmem:$0x15700] =	vst v63  }
0x79: {  	s18 =	sadd.s32 $0x1, s18;
	_ =	swait.ge [sflag:s11], $0xC40  }
0x7a: {  	p0 =	sne.s32 s18, s10;
	[sflag:s11] =	ssyncset.done $0x0  }
.Ltmp1:
0x7b: {  	[sflag:s11] =	ssyncadd.s32 $0xFFFFF3C0;
	(pc) =	sbr.rel @p0 .LBB2_1-.Ltmp1, $4  }
0x7c: {  	[hbm4b:s9+s2] =	stream.linear.scatter [tilespmem:s17], [sflag:$0x1], $0xC40, $0x38;
	[tilespmem:$0x15700] =	vst v63  }
0x7d: {  	_ =	swait.ge [sflag:s11], $0xC40  }
0x7e: {  	[sflag:s11] =	ssyncset.done $0x0  }
0x7f: {  	[sflag:s11] =	ssyncadd.s32 $0xFFFFF3C0  }
0x80: {  	_ =	sfence.sel $0x180000  }
0x81: {  	[bflag:$0x0] =	sbarrier.arrive $0xFFFF  }
0x82: {  	p0 =	sne.s32 s1, $0x0;
	_ =	strace $0x9000004A  }
0x83: {  	s0 =	sadd.s32 @!p0 $0x100000, s0;
	[bflag:$0x2] =	sbarrier.arrive $0xFFFF  }
0x84: {  	[sflag:s0] =	ssyncadd.tile.s32 @!p0 $0x1;
	_ =	shalt  }
.Lfunc_end2:
_tile_overlayer_lowered:
.L_overlay_start_2:
0x85: {  	(tag) =	ssettag $0x2  }
0x86: {  	s0 =	rddreg [dreg:$0x0];
	s2 =	stileid.u32  }
0x87: {  	s1 =	rddreg [dreg:$0x1];
	p0 =	sne.s32 s2, $0x0  }
0x88: {  	s3 =	rddreg [dreg:$0x2];
	[bflag:$0x3] =	sbarrier.arrive $0xFFFF;
	s2 =	simm.s32 @!p0 $0x1C01  }
0x89: {  	[timem:s3], [sflag:s2] =	dma.local @!p0 [hbm:s0], s1  }
0x8a: {  	s0 =	simm.s32 @!p0 $0x1  }
0x8b: {  	_ =	swait.ge @!p0 [sflag:s0], s1  }
0x8c: {  	s1 =	ssub.s32 @!p0 $0x0, s1;
	[sflag:s0] =	ssyncset.done @!p0 $0x0  }
0x8d: {  	[sflag:s0] =	ssyncadd.s32 @!p0 s1  }
0x8e: {  	[bflag:$0x3] =	sbarrier.arrive $0xFFFF  }
0x8f: {  	_ =	shalt  }

</sc_bundles>
